<compile_context>
chip_gen: v7x
topology: tpu7x:2x2x1
jax: 0.10.2.dev20260603
libtpu: 0.0.44.dev20260713+nightly
codegen_flags: <defaults>
</compile_context>

<pallas_src>
import functools

import jax
import jax.numpy as jnp
from jax import lax
from jax.experimental import pallas as pl
from jax.experimental.pallas import tpu as pltpu
from jax.experimental.pallas import tpu_sc as plsc

N_PTS = 10000
M_NBR = 32
C_IN = 64
C_RAW = 10
C_RAWOUT = 32
C_NBR = 96
C_OUT = 64
E = N_PTS * M_NBR

NW = 32
SC_CH = 128
IDX_W = 128
E_PAD = 327680
BPW = E_PAD // NW
NCHUNK = BPW // SC_CH
NB = 5

P_BLK = 400
GRID = N_PTS // P_BLK


def _lrelu(x):
    return jnp.maximum(x, 0.2 * x)


def _sc_gather(table, idx_flat):
    mesh = plsc.VectorSubcoreMesh(core_axis_name="c", subcore_axis_name="s")

    @functools.partial(
        pl.kernel,
        out_type=jax.ShapeDtypeStruct((E_PAD, 128), jnp.float32),
        mesh=mesh,
        scratch_types=[
            pltpu.VMEM((BPW,), jnp.int32),
        ] + [pltpu.VMEM((SC_CH, 128), jnp.float32)] * NB
          + [pltpu.SemaphoreType.DMA] * (2 * NB),
    )
    def gather_k(table_hbm, idx_hbm, out_hbm, idx_v, *bufs_and_sems):
        bufs = bufs_and_sems[:NB]
        gsems = bufs_and_sems[NB:2 * NB]
        wsems = bufs_and_sems[2 * NB:]
        wid = lax.axis_index("s") * 2 + lax.axis_index("c")
        ebase = wid * BPW
        pltpu.sync_copy(idx_hbm.at[pl.ds(ebase, BPW)], idx_v)

        def idx_win(j):
            return idx_v.at[pl.ds(pl.multiple_of(j * SC_CH, 8), SC_CH)]

        def fire(j, b):
            pltpu.async_copy(table_hbm.at[idx_win(j)], bufs[b], gsems[b])

        def wait_gather(j, b):
            pltpu.make_async_copy(
                table_hbm.at[idx_win(j)], bufs[b], gsems[b]).wait()

        def out_slot(j):
            return out_hbm.at[
                pl.ds(pl.multiple_of(ebase + j * SC_CH, 8), SC_CH)]

        for p in range(NB - 1):
            fire(p, p)

        @pl.loop(0, NCHUNK, step=NB)
        def _(jj):
            for b in range(NB):
                j = jj + b
                nb_ahead = (b + NB - 1) % NB

                @pl.when(j + NB - 1 < NCHUNK)
                def _():
                    @pl.when(j >= 1)
                    def _():
                        pltpu.make_async_copy(
                            bufs[nb_ahead], out_slot(j - 1),
                            wsems[nb_ahead]).wait()
                    fire(j + NB - 1, nb_ahead)

                wait_gather(j, b)
                pltpu.async_copy(bufs[b], out_slot(j), wsems[b])

        for t in range(NB, 0, -1):
            b = (NCHUNK - t) % NB
            pltpu.make_async_copy(
                bufs[b], out_slot(NCHUNK - t), wsems[b]).wait()

    return gather_k(table, idx_flat)


def _prep_body(feat_ref, idx_ref, table_ref, idx2_ref):
    f = feat_ref[...]
    table_ref[...] = jnp.concatenate([f, jnp.zeros_like(f)], axis=1)
    npp = IDX_W // M_NBR
    ii = idx_ref[...].reshape(N_PTS // npp, npp, M_NBR)
    packed = jnp.concatenate([ii[:, c, :] for c in range(npp)], axis=1)
    pad = jnp.zeros((E_PAD // IDX_W - N_PTS // npp, IDX_W), jnp.int32)
    idx2_ref[...] = jnp.concatenate([packed, pad], axis=0)


def _prep(feat2, idx0):
    return pl.pallas_call(
        _prep_body,
        in_specs=[
            pl.BlockSpec((N_PTS, C_IN), lambda: (0, 0)),
            pl.BlockSpec((N_PTS, M_NBR), lambda: (0, 0)),
        ],
        out_specs=[
            pl.BlockSpec((N_PTS, 128), lambda: (0, 0)),
            pl.BlockSpec((E_PAD // IDX_W, IDX_W), lambda: (0, 0)),
        ],
        out_shape=[
            jax.ShapeDtypeStruct((N_PTS, 128), jnp.float32),
            jax.ShapeDtypeStruct((E_PAD // IDX_W, IDX_W), jnp.int32),
        ],
    )(feat2, idx0)


def _pass0_body(raw_ref, feat_ref, w1_ref, ws_ref,
                ys_ref, s1_ref, q1_ref, ss_ref, qs_ref):
    i = pl.program_id(0)
    raw = raw_ref[...].reshape(P_BLK * M_NBR, C_RAW)
    y1 = jnp.dot(raw, w1_ref[...], preferred_element_type=jnp.float32)
    f = feat_ref[...]
    ys = jnp.dot(f, ws_ref[...], preferred_element_type=jnp.float32)
    ys_ref[...] = ys

    @pl.when(i == 0)
    def _():
        s1_ref[...] = jnp.zeros_like(s1_ref)
        q1_ref[...] = jnp.zeros_like(q1_ref)
        ss_ref[...] = jnp.zeros_like(ss_ref)
        qs_ref[...] = jnp.zeros_like(qs_ref)

    s1_ref[...] += jnp.sum(y1, axis=0, keepdims=True)
    q1_ref[...] += jnp.sum(y1 * y1, axis=0, keepdims=True)
    ss_ref[...] += jnp.sum(ys, axis=0, keepdims=True)
    qs_ref[...] += jnp.sum(ys * ys, axis=0, keepdims=True)


def _pass0(raw2, feat2, w1, ws):
    return pl.pallas_call(
        _pass0_body,
        grid=(GRID,),
        in_specs=[
            pl.BlockSpec((1, P_BLK, M_NBR, C_RAW), lambda i: (0, i, 0, 0)),
            pl.BlockSpec((P_BLK, C_IN), lambda i: (i, 0)),
            pl.BlockSpec((C_RAW, C_RAWOUT), lambda i: (0, 0)),
            pl.BlockSpec((C_IN, C_OUT), lambda i: (0, 0)),
        ],
        out_specs=[
            pl.BlockSpec((P_BLK, C_OUT), lambda i: (i, 0)),
            pl.BlockSpec((1, C_RAWOUT), lambda i: (0, 0)),
            pl.BlockSpec((1, C_RAWOUT), lambda i: (0, 0)),
            pl.BlockSpec((1, C_OUT), lambda i: (0, 0)),
            pl.BlockSpec((1, C_OUT), lambda i: (0, 0)),
        ],
        out_shape=[
            jax.ShapeDtypeStruct((N_PTS, C_OUT), jnp.float32),
            jax.ShapeDtypeStruct((1, C_RAWOUT), jnp.float32),
            jax.ShapeDtypeStruct((1, C_RAWOUT), jnp.float32),
            jax.ShapeDtypeStruct((1, C_OUT), jnp.float32),
            jax.ShapeDtypeStruct((1, C_OUT), jnp.float32),
        ],
    )(raw2, feat2, w1, ws)


def _passA_body(raw_ref, fg_ref, w1f_ref, c1_ref, w2t_ref, w2b_ref,
                s2_ref, q2_ref):
    i = pl.program_id(0)
    raw = raw_ref[...].reshape(P_BLK * M_NBR, C_RAW)
    r = _lrelu(jnp.dot(raw, w1f_ref[...],
                       preferred_element_type=jnp.float32) + c1_ref[...])
    y2 = (jnp.dot(fg_ref[...], w2t_ref[...],
                  preferred_element_type=jnp.float32)
          + jnp.dot(r, w2b_ref[...], preferred_element_type=jnp.float32))

    @pl.when(i == 0)
    def _():
        s2_ref[...] = jnp.zeros_like(s2_ref)
        q2_ref[...] = jnp.zeros_like(q2_ref)

    s2_ref[...] += jnp.sum(y2, axis=0, keepdims=True)
    q2_ref[...] += jnp.sum(y2 * y2, axis=0, keepdims=True)


def _passA(raw2, fg, w1f, c1, w2t, w2b):
    return pl.pallas_call(
        _passA_body,
        grid=(GRID,),
        in_specs=[
            pl.BlockSpec((1, P_BLK, M_NBR, C_RAW), lambda i: (0, i, 0, 0)),
            pl.BlockSpec((P_BLK * M_NBR, 128), lambda i: (i, 0)),
            pl.BlockSpec((C_RAW, C_RAWOUT), lambda i: (0, 0)),
            pl.BlockSpec((1, C_RAWOUT), lambda i: (0, 0)),
            pl.BlockSpec((128, C_NBR), lambda i: (0, 0)),
            pl.BlockSpec((C_RAWOUT, C_NBR), lambda i: (0, 0)),
        ],
        out_specs=[
            pl.BlockSpec((1, C_NBR), lambda i: (0, 0)),
            pl.BlockSpec((1, C_NBR), lambda i: (0, 0)),
        ],
        out_shape=[
            jax.ShapeDtypeStruct((1, C_NBR), jnp.float32),
            jax.ShapeDtypeStruct((1, C_NBR), jnp.float32),
        ],
    )(raw2, fg, w1f, c1, w2t, w2b)


def _passB_body(raw_ref, fg_ref, w1f_ref, c1_ref, w2ft_ref, w2fb_ref,
                c2_ref, wa_ref, w3_ref, y3_ref, s3_ref, q3_ref):
    i = pl.program_id(0)
    raw = raw_ref[...].reshape(P_BLK * M_NBR, C_RAW)
    r = _lrelu(jnp.dot(raw, w1f_ref[...],
                       preferred_element_type=jnp.float32) + c1_ref[...])
    feat = _lrelu(
        jnp.dot(fg_ref[...], w2ft_ref[...],
                preferred_element_type=jnp.float32)
        + jnp.dot(r, w2fb_ref[...], preferred_element_type=jnp.float32)
        + c2_ref[...])
    logits = jnp.dot(feat, wa_ref[...],
                     preferred_element_type=jnp.float32)
    lf = logits.reshape(P_BLK, M_NBR, C_NBR)
    ff = feat.reshape(P_BLK, M_NBR, C_NBR)
    ex = jnp.exp(lf)
    den = jnp.sum(ex, axis=1)
    num = jnp.sum(ex * ff, axis=1)
    pooled = num / den
    y3 = jnp.dot(pooled, w3_ref[...], preferred_element_type=jnp.float32)
    y3_ref[...] = y3

    @pl.when(i == 0)
    def _():
        s3_ref[...] = jnp.zeros_like(s3_ref)
        q3_ref[...] = jnp.zeros_like(q3_ref)

    s3_ref[...] += jnp.sum(y3, axis=0, keepdims=True)
    q3_ref[...] += jnp.sum(y3 * y3, axis=0, keepdims=True)


def _passB(raw2, fg, w1f, c1, w2ft, w2fb, c2, wa, w3):
    return pl.pallas_call(
        _passB_body,
        grid=(GRID,),
        in_specs=[
            pl.BlockSpec((1, P_BLK, M_NBR, C_RAW), lambda i: (0, i, 0, 0)),
            pl.BlockSpec((P_BLK * M_NBR, 128), lambda i: (i, 0)),
            pl.BlockSpec((C_RAW, C_RAWOUT), lambda i: (0, 0)),
            pl.BlockSpec((1, C_RAWOUT), lambda i: (0, 0)),
            pl.BlockSpec((128, C_NBR), lambda i: (0, 0)),
            pl.BlockSpec((C_RAWOUT, C_NBR), lambda i: (0, 0)),
            pl.BlockSpec((1, C_NBR), lambda i: (0, 0)),
            pl.BlockSpec((C_NBR, C_NBR), lambda i: (0, 0)),
            pl.BlockSpec((C_NBR, C_OUT), lambda i: (0, 0)),
        ],
        out_specs=[
            pl.BlockSpec((P_BLK, C_OUT), lambda i: (i, 0)),
            pl.BlockSpec((1, C_OUT), lambda i: (0, 0)),
            pl.BlockSpec((1, C_OUT), lambda i: (0, 0)),
        ],
        out_shape=[
            jax.ShapeDtypeStruct((N_PTS, C_OUT), jnp.float32),
            jax.ShapeDtypeStruct((1, C_OUT), jnp.float32),
            jax.ShapeDtypeStruct((1, C_OUT), jnp.float32),
        ],
    )(raw2, fg, w1f, c1, w2ft, w2fb, c2, wa, w3)


def _passC_body(y3_ref, ys_ref, a3_ref, as_ref, c_ref, out_ref):
    out_ref[...] = _lrelu(y3_ref[...] * a3_ref[...]
                          + ys_ref[...] * as_ref[...] + c_ref[...])


def _passC(y3, ys, a3, as_, c):
    return pl.pallas_call(
        _passC_body,
        grid=(GRID,),
        in_specs=[
            pl.BlockSpec((P_BLK, C_OUT), lambda i: (i, 0)),
            pl.BlockSpec((P_BLK, C_OUT), lambda i: (i, 0)),
            pl.BlockSpec((1, C_OUT), lambda i: (0, 0)),
            pl.BlockSpec((1, C_OUT), lambda i: (0, 0)),
            pl.BlockSpec((1, C_OUT), lambda i: (0, 0)),
        ],
        out_specs=pl.BlockSpec((P_BLK, C_OUT), lambda i: (i, 0)),
        out_shape=jax.ShapeDtypeStruct((N_PTS, C_OUT), jnp.float32),
    )(y3, ys, a3, as_, c)


def _fold(s, q, g, b, count):
    m = s / count
    v = q / count - m * m
    a = g / jnp.sqrt(v + 1e-5)
    return a, b - m * a


def kernel(xyz, feature, raw_neighbors_feature, neighbors_idx,
           W1, g1, b1, W2, g2, b2, Wa, W3, g3, b3, Ws, gs, bs):
    del xyz
    feat2 = feature.reshape(N_PTS, C_IN)
    idx0 = neighbors_idx.reshape(N_PTS, M_NBR)
    raw2 = raw_neighbors_feature

    table, idx2 = _prep(feat2, idx0)

    fg = _sc_gather(table, idx2.reshape(E_PAD))

    ys, s1, q1, ss, qs = _pass0(raw2, feat2, W1, Ws)
    a1, c1 = _fold(s1, q1, g1[None], b1[None], float(E))
    as_, cs = _fold(ss, qs, gs[None], bs[None], float(N_PTS))
    w1f = W1 * a1

    w2t = jnp.pad(W2[:C_IN], ((0, 128 - C_IN), (0, 0)))
    w2b = W2[C_IN:]
    s2, q2 = _passA(raw2, fg, w1f, c1, w2t, w2b)
    a2, c2 = _fold(s2, q2, g2[None], b2[None], float(E))
    w2ft, w2fb = w2t * a2, w2b * a2

    y3, s3, q3 = _passB(raw2, fg, w1f, c1, w2ft, w2fb, c2, Wa, W3)
    a3, c3 = _fold(s3, q3, g3[None], b3[None], float(N_PTS))

    out = _passC(y3, ys, a3, as_, c3 + cs)
    return out.reshape(1, N_PTS, C_OUT)

# --- scband reference (transcript-rebuilt; emitter-appended) ---
"""Pipeline reference for scband-local-feature-aggregation-65592740544741 (READ-ONLY COPY).

The authoritative reference and input builder live on the scoring server;
editing this copy changes nothing except your own understanding.
"""

import jax, jax.numpy as jnp
import numpy as np

B, N, M = 1, 10000, 32
C_IN = 64        # in_channels
C_RAW = 10       # neighbor_feature_generator.channels
C_RAWOUT = 32    # raw_neighbor_fea_out_chnls
C_NBR = C_IN + C_RAWOUT  # 96
C_OUT = 64       # out_channels


def _bn(x, g, b):
    # BatchNorm1d in training mode: normalize over all non-channel dims
    axes = tuple(range(x.ndim - 1))
    m = x.mean(axis=axes, keepdims=True)
    v = x.var(axis=axes, keepdims=True)
    return g * (x - m) / jnp.sqrt(v + 1e-5) + b


def _lrelu(x):
    return jnp.where(x >= 0, x, 0.2 * x)


def setup_inputs(seed: int = 0) -> dict:
    key = jax.random.key(seed)
    ks = jax.random.split(key, 20)
    inp = {}
    inp["xyz"] = jax.random.normal(ks[0], (B, N, 3), dtype=jnp.float32)
    inp["feature"] = jax.random.normal(ks[1], (B, N, C_IN), dtype=jnp.float32)
    inp["raw_neighbors_feature"] = jax.random.normal(ks[2], (B, N, M, C_RAW), dtype=jnp.float32)
    inp["neighbors_idx"] = jax.random.randint(ks[3], (B, N, M), 0, N, dtype=jnp.int32)
    # learned parameters
    inp["W1"] = jax.random.normal(ks[4], (C_RAW, C_RAWOUT), dtype=jnp.float32) * 0.05
    inp["g1"] = jnp.ones((C_RAWOUT,), dtype=jnp.float32)
    inp["b1"] = jnp.zeros((C_RAWOUT,), dtype=jnp.float32)
    inp["W2"] = jax.random.normal(ks[5], (C_NBR, C_NBR), dtype=jnp.float32) * 0.05
    inp["g2"] = jnp.ones((C_NBR,), dtype=jnp.float32)
    inp["b2"] = jnp.zeros((C_NBR,), dtype=jnp.float32)
    inp["Wa"] = jax.random.normal(ks[6], (C_NBR, C_NBR), dtype=jnp.float32) * 0.05
    inp["W3"] = jax.random.normal(ks[7], (C_NBR, C_OUT), dtype=jnp.float32) * 0.05
    inp["g3"] = jnp.ones((C_OUT,), dtype=jnp.float32)
    inp["b3"] = jnp.zeros((C_OUT,), dtype=jnp.float32)
    inp["Ws"] = jax.random.normal(ks[8], (C_IN, C_OUT), dtype=jnp.float32) * 0.05
    inp["gs"] = jnp.ones((C_OUT,), dtype=jnp.float32)
    inp["bs"] = jnp.zeros((C_OUT,), dtype=jnp.float32)
    return inp


def _index_points(feature, idx):
    # feature: (B, N, C); idx: (B, N, M) -> (B, N, M, C)
    return jax.vmap(lambda f, i: f[i])(feature, idx)


def reference(xyz, feature, raw_neighbors_feature, neighbors_idx,
              W1, g1, b1, W2, g2, b2, Wa, W3, g3, b3, Ws, gs, bs):
    # mlp_raw_neighbor_fea: Linear -> BN -> LeakyReLU(0.2)
    raw_mlp = _lrelu(_bn(raw_neighbors_feature @ W1, g1, b1))  # (B,N,M,C_RAWOUT)
    # gather neighbor features (in_channels != 0 branch)
    nbr_feat = _index_points(feature, neighbors_idx[:, :, :M])  # (B,N,M,C_IN)
    nbr_feat = jnp.concatenate([nbr_feat, raw_mlp], axis=3)     # (B,N,M,C_NBR)
    # mlp_neighbor_fea
    feat = _lrelu(_bn(nbr_feat @ W2, g2, b2))
    # attn_pooling
    attn = jax.nn.softmax(feat @ Wa, axis=2)
    feat = jnp.sum(attn * feat, axis=2)                          # (B,N,C_NBR)
    # shortcut + out, leaky_relu
    out = _lrelu(_bn(feature @ Ws, gs, bs) + _bn(feat @ W3, g3, b3))  # (B,N,C_OUT)
    return out

if __name__ == "__main__":
    import jax
    _d = setup_inputs()
    print(jax.jit(kernel)(*tuple(_d.values())))

</pallas_src>

<mosaic_0001>
#map = affine_map<(d0, d1) -> (0, 0)>
#map1 = affine_map<(d0, d1) -> (0)>
module attributes {stable_mosaic.version = 14 : i64} {
  func.func @gather_k(%arg0: i32, %arg1: i32, %arg2: memref<10000x128xf32, #tpu.memory_space<hbm>>, %arg3: memref<327680xi32, #tpu.memory_space<hbm>>, %arg4: memref<327680x128xf32, #tpu.memory_space<hbm>>, %arg5: memref<10240xi32, #tpu.memory_space<vmem>>, %arg6: memref<128x128xf32, #tpu.memory_space<vmem>>, %arg7: memref<128x128xf32, #tpu.memory_space<vmem>>, %arg8: memref<128x128xf32, #tpu.memory_space<vmem>>, %arg9: memref<128x128xf32, #tpu.memory_space<vmem>>, %arg10: memref<128x128xf32, #tpu.memory_space<vmem>>, %arg11: memref<!tpu.dma_semaphore, #tpu.memory_space<semaphore_mem>>, %arg12: memref<!tpu.dma_semaphore, #tpu.memory_space<semaphore_mem>>, %arg13: memref<!tpu.dma_semaphore, #tpu.memory_space<semaphore_mem>>, %arg14: memref<!tpu.dma_semaphore, #tpu.memory_space<semaphore_mem>>, %arg15: memref<!tpu.dma_semaphore, #tpu.memory_space<semaphore_mem>>, %arg16: memref<!tpu.dma_semaphore, #tpu.memory_space<semaphore_mem>>, %arg17: memref<!tpu.dma_semaphore, #tpu.memory_space<semaphore_mem>>, %arg18: memref<!tpu.dma_semaphore, #tpu.memory_space<semaphore_mem>>, %arg19: memref<!tpu.dma_semaphore, #tpu.memory_space<semaphore_mem>>, %arg20: memref<!tpu.dma_semaphore, #tpu.memory_space<semaphore_mem>>) attributes {dimension_semantics = [#tpu.dimension_semantics<core_parallel>, #tpu.dimension_semantics<subcore_parallel>], iteration_bounds = array<i64: 2, 16>, scalar_prefetch = 0 : i64, scratch_operands = 16 : i64, tpu.core_type = #tpu.core_type<sc_vector_subcore>, window_params = [{transform_indices = #map}, {transform_indices = #map1}, {transform_indices = #map}]} {
    %mul3A = arith.constant 2 : i32
    %mul3A_0 = arith.muli %arg1, %mul3A : i32
    %add3A = arith.addi %mul3A_0, %arg0 : i32
    %mul3A_1 = arith.constant 10240 : i32
    %mul3A_2 = arith.muli %add3A, %mul3A_1 : i32
    "tpu.region"() ({
      %run_scoped3A = tpu.sem_alloc : memref<!tpu.dma_semaphore, #tpu.memory_space<semaphore_mem>>
      %dma_start3A_63 = tpu.memref_slice %arg3[%mul3A_2] : memref<327680xi32, #tpu.memory_space<hbm>> -> memref<10240xi32, #tpu.memory_space<hbm>>
      %dma_start3A_64 = tpu.memref_slice %arg3[%mul3A_2] : memref<327680xi32, #tpu.memory_space<hbm>> -> memref<10240xi32, #tpu.memory_space<hbm>>
      tpu.enqueue_dma source(%dma_start3A_64 : memref<10240xi32, #tpu.memory_space<hbm>>) target(%arg5 : memref<10240xi32, #tpu.memory_space<vmem>>) target_semaphore(%run_scoped3A : memref<!tpu.dma_semaphore, #tpu.memory_space<semaphore_mem>>)
      %dma_wait3A_65 = tpu.memref_slice %arg3[%mul3A_2] : memref<327680xi32, #tpu.memory_space<hbm>> -> memref<10240xi32, #tpu.memory_space<hbm>>
      %dma_wait3A_66 = tpu.memref_slice %arg3[%mul3A_2] : memref<327680xi32, #tpu.memory_space<hbm>> -> memref<10240xi32, #tpu.memory_space<hbm>>
      tpu.wait_dma2 semaphore(%run_scoped3A : memref<!tpu.dma_semaphore, #tpu.memory_space<semaphore_mem>>) src(%dma_wait3A_66 : memref<10240xi32, #tpu.memory_space<hbm>>) dst(%arg5 : memref<10240xi32, #tpu.memory_space<vmem>>)
      tpu.yield
    }) : () -> ()
    %multiple_of3A = arith.constant 0 : i32
    %multiple_of3A_3 = tpu.assume_multiple %multiple_of3A, 8 : i32
    %dma_start3A = tpu.memref_slice %arg5[%multiple_of3A_3] : memref<10240xi32, #tpu.memory_space<vmem>> -> memref<128xi32, #tpu.memory_space<vmem>>
    %dma_start3A_4 = arith.constant 0 : i32
    %dma_start3A_5 = arith.constant 0 : i32
    %dma_start3A_6 = tpu.memref_slice %arg2[%dma_start3A_4, %dma_start3A_5] : memref<10000x128xf32, #tpu.memory_space<hbm>> -> memref<10000x128xf32, #tpu.memory_space<hbm>>
    tpu.enqueue_indirect_dma source(%dma_start3A_6 : memref<10000x128xf32, #tpu.memory_space<hbm>>) target(%arg6 : memref<128x128xf32, #tpu.memory_space<vmem>>) offsets(%dma_start3A : memref<128xi32, #tpu.memory_space<vmem>>) semaphore(%arg11 : memref<!tpu.dma_semaphore, #tpu.memory_space<semaphore_mem>>)
    %multiple_of3A_7 = arith.constant 128 : i32
    %multiple_of3A_8 = tpu.assume_multiple %multiple_of3A_7, 8 : i32
    %dma_start3A_9 = tpu.memref_slice %arg5[%multiple_of3A_8] : memref<10240xi32, #tpu.memory_space<vmem>> -> memref<128xi32, #tpu.memory_space<vmem>>
    %dma_start3A_10 = arith.constant 0 : i32
    %dma_start3A_11 = arith.constant 0 : i32
    %dma_start3A_12 = tpu.memref_slice %arg2[%dma_start3A_10, %dma_start3A_11] : memref<10000x128xf32, #tpu.memory_space<hbm>> -> memref<10000x128xf32, #tpu.memory_space<hbm>>
    tpu.enqueue_indirect_dma source(%dma_start3A_12 : memref<10000x128xf32, #tpu.memory_space<hbm>>) target(%arg7 : memref<128x128xf32, #tpu.memory_space<vmem>>) offsets(%dma_start3A_9 : memref<128xi32, #tpu.memory_space<vmem>>) semaphore(%arg12 : memref<!tpu.dma_semaphore, #tpu.memory_space<semaphore_mem>>)
    %multiple_of3A_13 = arith.constant 256 : i32
    %multiple_of3A_14 = tpu.assume_multiple %multiple_of3A_13, 8 : i32
    %dma_start3A_15 = tpu.memref_slice %arg5[%multiple_of3A_14] : memref<10240xi32, #tpu.memory_space<vmem>> -> memref<128xi32, #tpu.memory_space<vmem>>
    %dma_start3A_16 = arith.constant 0 : i32
    %dma_start3A_17 = arith.constant 0 : i32
    %dma_start3A_18 = tpu.memref_slice %arg2[%dma_start3A_16, %dma_start3A_17] : memref<10000x128xf32, #tpu.memory_space<hbm>> -> memref<10000x128xf32, #tpu.memory_space<hbm>>
    tpu.enqueue_indirect_dma source(%dma_start3A_18 : memref<10000x128xf32, #tpu.memory_space<hbm>>) target(%arg8 : memref<128x128xf32, #tpu.memory_space<vmem>>) offsets(%dma_start3A_15 : memref<128xi32, #tpu.memory_space<vmem>>) semaphore(%arg13 : memref<!tpu.dma_semaphore, #tpu.memory_space<semaphore_mem>>)
    %multiple_of3A_19 = arith.constant 384 : i32
    %multiple_of3A_20 = tpu.assume_multiple %multiple_of3A_19, 8 : i32
    %dma_start3A_21 = tpu.memref_slice %arg5[%multiple_of3A_20] : memref<10240xi32, #tpu.memory_space<vmem>> -> memref<128xi32, #tpu.memory_space<vmem>>
    %dma_start3A_22 = arith.constant 0 : i32
    %dma_start3A_23 = arith.constant 0 : i32
    %dma_start3A_24 = tpu.memref_slice %arg2[%dma_start3A_22, %dma_start3A_23] : memref<10000x128xf32, #tpu.memory_space<hbm>> -> memref<10000x128xf32, #tpu.memory_space<hbm>>
    tpu.enqueue_indirect_dma source(%dma_start3A_24 : memref<10000x128xf32, #tpu.memory_space<hbm>>) target(%arg9 : memref<128x128xf32, #tpu.memory_space<vmem>>) offsets(%dma_start3A_21 : memref<128xi32, #tpu.memory_space<vmem>>) semaphore(%arg14 : memref<!tpu.dma_semaphore, #tpu.memory_space<semaphore_mem>>)
    %scan3A = arith.constant 0 : i32
    %scan3A_25 = arith.constant 16 : i32
    %scan3A_26 = arith.addi %scan3A, %scan3A_25 : i32
    %scan3A_27 = arith.constant 1 : i32
    scf.for %scan3A_63 = %scan3A to %scan3A_26 step %scan3A_27  : i32 {
      %mul3A_64 = arith.constant 5 : i32
      %mul3A_65 = arith.muli %scan3A_63, %mul3A_64 : i32
      %add3A_66 = arith.constant 0 : i32
      %add3A_67 = arith.addi %add3A_66, %mul3A_65 : i32
      %add3A_68 = arith.constant 0 : i32
      %add3A_69 = arith.addi %add3A_67, %add3A_68 : i32
      %add3A_70 = arith.constant 5 : i32
      %add3A_71 = arith.addi %add3A_69, %add3A_70 : i32
      %sub3A = arith.constant 1 : i32
      %sub3A_72 = arith.subi %add3A_71, %sub3A : i32
      %lt3A = arith.constant 80 : i32
      %lt3A_73 = arith.cmpi slt, %sub3A_72, %lt3A : i32
      %convert_element_type3A = arith.extui %lt3A_73 : i1 to i32
      %cond3A = arith.constant 0 : i32
      %cond3A_74 = arith.cmpi ne, %convert_element_type3A, %cond3A : i32
      scf.if %cond3A_74 {
        %ge3A = arith.constant 1 : i32
        %ge3A_194 = arith.cmpi sge, %add3A_69, %ge3A : i32
        %convert_element_type3A_195 = arith.extui %ge3A_194 : i1 to i32
        %cond3A_196 = arith.constant 0 : i32
        %cond3A_197 = arith.cmpi ne, %convert_element_type3A_195, %cond3A_196 : i32
        scf.if %cond3A_197 {
          %sub3A_209 = arith.constant 1 : i32
          %sub3A_210 = arith.subi %add3A_69, %sub3A_209 : i32
          %mul3A_211 = arith.constant 128 : i32
          %mul3A_212 = arith.muli %sub3A_210, %mul3A_211 : i32
          %add3A_213 = arith.addi %mul3A_2, %mul3A_212 : i32
          %multiple_of3A_214 = tpu.assume_multiple %add3A_213, 8 : i32
          %dma_wait3A_215 = arith.constant 0 : i32
          %dma_wait3A_216 = tpu.memref_slice %arg4[%multiple_of3A_214, %dma_wait3A_215] : memref<327680x128xf32, #tpu.memory_space<hbm>> -> memref<128x128xf32, #tpu.memory_space<hbm>>
          %dma_wait3A_217 = arith.constant 0 : i32
          %dma_wait3A_218 = tpu.memref_slice %arg4[%multiple_of3A_214, %dma_wait3A_217] : memref<327680x128xf32, #tpu.memory_space<hbm>> -> memref<128x128xf32, #tpu.memory_space<hbm>>
          tpu.wait_dma2 semaphore(%arg20 : memref<!tpu.dma_semaphore, #tpu.memory_space<semaphore_mem>>) src(%arg10 : memref<128x128xf32, #tpu.memory_space<vmem>>) dst(%dma_wait3A_218 : memref<128x128xf32, #tpu.memory_space<hbm>>)
        } else {
        }
        %add3A_198 = arith.constant 5 : i32
        %add3A_199 = arith.addi %add3A_69, %add3A_198 : i32
        %sub3A_200 = arith.constant 1 : i32
        %sub3A_201 = arith.subi %add3A_199, %sub3A_200 : i32
        %mul3A_202 = arith.constant 128 : i32
        %mul3A_203 = arith.muli %sub3A_201, %mul3A_202 : i32
        %multiple_of3A_204 = tpu.assume_multiple %mul3A_203, 8 : i32
        %dma_start3A_205 = tpu.memref_slice %arg5[%multiple_of3A_204] : memref<10240xi32, #tpu.memory_space<vmem>> -> memref<128xi32, #tpu.memory_space<vmem>>
        %dma_start3A_206 = arith.constant 0 : i32
        %dma_start3A_207 = arith.constant 0 : i32
        %dma_start3A_208 = tpu.memref_slice %arg2[%dma_start3A_206, %dma_start3A_207] : memref<10000x128xf32, #tpu.memory_space<hbm>> -> memref<10000x128xf32, #tpu.memory_space<hbm>>
        tpu.enqueue_indirect_dma source(%dma_start3A_208 : memref<10000x128xf32, #tpu.memory_space<hbm>>) target(%arg10 : memref<128x128xf32, #tpu.memory_space<vmem>>) offsets(%dma_start3A_205 : memref<128xi32, #tpu.memory_space<vmem>>) semaphore(%arg15 : memref<!tpu.dma_semaphore, #tpu.memory_space<semaphore_mem>>)
      } else {
      }
      %mul3A_75 = arith.constant 128 : i32
      %mul3A_76 = arith.muli %add3A_69, %mul3A_75 : i32
      %multiple_of3A_77 = tpu.assume_multiple %mul3A_76, 8 : i32
      %dma_wait3A_78 = tpu.memref_slice %arg5[%multiple_of3A_77] : memref<10240xi32, #tpu.memory_space<vmem>> -> memref<128xi32, #tpu.memory_space<vmem>>
      %dma_wait3A_79 = arith.constant 0 : i32
      %dma_wait3A_80 = arith.constant 0 : i32
      %dma_wait3A_81 = tpu.memref_slice %arg2[%dma_wait3A_79, %dma_wait3A_80] : memref<10000x128xf32, #tpu.memory_space<hbm>> -> memref<10000x128xf32, #tpu.memory_space<hbm>>
      tpu.wait_indirect_dma semaphore(%arg11 : memref<!tpu.dma_semaphore, #tpu.memory_space<semaphore_mem>>) src(%dma_wait3A_81 : memref<10000x128xf32, #tpu.memory_space<hbm>>) dst(%arg6 : memref<128x128xf32, #tpu.memory_space<vmem>>)
      %mul3A_82 = arith.constant 128 : i32
      %mul3A_83 = arith.muli %add3A_69, %mul3A_82 : i32
      %add3A_84 = arith.addi %mul3A_2, %mul3A_83 : i32
      %multiple_of3A_85 = tpu.assume_multiple %add3A_84, 8 : i32
      %dma_start3A_86 = arith.constant 0 : i32
      %dma_start3A_87 = tpu.memref_slice %arg4[%multiple_of3A_85, %dma_start3A_86] : memref<327680x128xf32, #tpu.memory_space<hbm>> -> memref<128x128xf32, #tpu.memory_space<hbm>>
      %dma_start3A_88 = arith.constant 0 : i32
      %dma_start3A_89 = tpu.memref_slice %arg4[%multiple_of3A_85, %dma_start3A_88] : memref<327680x128xf32, #tpu.memory_space<hbm>> -> memref<128x128xf32, #tpu.memory_space<hbm>>
      tpu.enqueue_dma source(%arg6 : memref<128x128xf32, #tpu.memory_space<vmem>>) target(%dma_start3A_89 : memref<128x128xf32, #tpu.memory_space<hbm>>) target_semaphore(%arg16 : memref<!tpu.dma_semaphore, #tpu.memory_space<semaphore_mem>>)
      %add3A_90 = arith.constant 1 : i32
      %add3A_91 = arith.addi %add3A_67, %add3A_90 : i32
      %add3A_92 = arith.constant 5 : i32
      %add3A_93 = arith.addi %add3A_91, %add3A_92 : i32
      %sub3A_94 = arith.constant 1 : i32
      %sub3A_95 = arith.subi %add3A_93, %sub3A_94 : i32
      %lt3A_96 = arith.constant 80 : i32
      %lt3A_97 = arith.cmpi slt, %sub3A_95, %lt3A_96 : i32
      %convert_element_type3A_98 = arith.extui %lt3A_97 : i1 to i32
      %cond3A_99 = arith.constant 0 : i32
      %cond3A_100 = arith.cmpi ne, %convert_element_type3A_98, %cond3A_99 : i32
      scf.if %cond3A_100 {
        %ge3A = arith.constant 1 : i32
        %ge3A_194 = arith.cmpi sge, %add3A_91, %ge3A : i32
        %convert_element_type3A_195 = arith.extui %ge3A_194 : i1 to i32
        %cond3A_196 = arith.constant 0 : i32
        %cond3A_197 = arith.cmpi ne, %convert_element_type3A_195, %cond3A_196 : i32
        scf.if %cond3A_197 {
          %sub3A_209 = arith.constant 1 : i32
          %sub3A_210 = arith.subi %add3A_91, %sub3A_209 : i32
          %mul3A_211 = arith.constant 128 : i32
          %mul3A_212 = arith.muli %sub3A_210, %mul3A_211 : i32
          %add3A_213 = arith.addi %mul3A_2, %mul3A_212 : i32
          %multiple_of3A_214 = tpu.assume_multiple %add3A_213, 8 : i32
          %dma_wait3A_215 = arith.constant 0 : i32
          %dma_wait3A_216 = tpu.memref_slice %arg4[%multiple_of3A_214, %dma_wait3A_215] : memref<327680x128xf32, #tpu.memory_space<hbm>> -> memref<128x128xf32, #tpu.memory_space<hbm>>
          %dma_wait3A_217 = arith.constant 0 : i32
          %dma_wait3A_218 = tpu.memref_slice %arg4[%multiple_of3A_214, %dma_wait3A_217] : memref<327680x128xf32, #tpu.memory_space<hbm>> -> memref<128x128xf32, #tpu.memory_space<hbm>>
          tpu.wait_dma2 semaphore(%arg16 : memref<!tpu.dma_semaphore, #tpu.memory_space<semaphore_mem>>) src(%arg6 : memref<128x128xf32, #tpu.memory_space<vmem>>) dst(%dma_wait3A_218 : memref<128x128xf32, #tpu.memory_space<hbm>>)
        } else {
        }
        %add3A_198 = arith.constant 5 : i32
        %add3A_199 = arith.addi %add3A_91, %add3A_198 : i32
        %sub3A_200 = arith.constant 1 : i32
        %sub3A_201 = arith.subi %add3A_199, %sub3A_200 : i32
        %mul3A_202 = arith.constant 128 : i32
        %mul3A_203 = arith.muli %sub3A_201, %mul3A_202 : i32
        %multiple_of3A_204 = tpu.assume_multiple %mul3A_203, 8 : i32
        %dma_start3A_205 = tpu.memref_slice %arg5[%multiple_of3A_204] : memref<10240xi32, #tpu.memory_space<vmem>> -> memref<128xi32, #tpu.memory_space<vmem>>
        %dma_start3A_206 = arith.constant 0 : i32
        %dma_start3A_207 = arith.constant 0 : i32
        %dma_start3A_208 = tpu.memref_slice %arg2[%dma_start3A_206, %dma_start3A_207] : memref<10000x128xf32, #tpu.memory_space<hbm>> -> memref<10000x128xf32, #tpu.memory_space<hbm>>
        tpu.enqueue_indirect_dma source(%dma_start3A_208 : memref<10000x128xf32, #tpu.memory_space<hbm>>) target(%arg6 : memref<128x128xf32, #tpu.memory_space<vmem>>) offsets(%dma_start3A_205 : memref<128xi32, #tpu.memory_space<vmem>>) semaphore(%arg11 : memref<!tpu.dma_semaphore, #tpu.memory_space<semaphore_mem>>)
      } else {
      }
      %mul3A_101 = arith.constant 128 : i32
      %mul3A_102 = arith.muli %add3A_91, %mul3A_101 : i32
      %multiple_of3A_103 = tpu.assume_multiple %mul3A_102, 8 : i32
      %dma_wait3A_104 = tpu.memref_slice %arg5[%multiple_of3A_103] : memref<10240xi32, #tpu.memory_space<vmem>> -> memref<128xi32, #tpu.memory_space<vmem>>
      %dma_wait3A_105 = arith.constant 0 : i32
      %dma_wait3A_106 = arith.constant 0 : i32
      %dma_wait3A_107 = tpu.memref_slice %arg2[%dma_wait3A_105, %dma_wait3A_106] : memref<10000x128xf32, #tpu.memory_space<hbm>> -> memref<10000x128xf32, #tpu.memory_space<hbm>>
      tpu.wait_indirect_dma semaphore(%arg12 : memref<!tpu.dma_semaphore, #tpu.memory_space<semaphore_mem>>) src(%dma_wait3A_107 : memref<10000x128xf32, #tpu.memory_space<hbm>>) dst(%arg7 : memref<128x128xf32, #tpu.memory_space<vmem>>)
      %mul3A_108 = arith.constant 128 : i32
      %mul3A_109 = arith.muli %add3A_91, %mul3A_108 : i32
      %add3A_110 = arith.addi %mul3A_2, %mul3A_109 : i32
      %multiple_of3A_111 = tpu.assume_multiple %add3A_110, 8 : i32
      %dma_start3A_112 = arith.constant 0 : i32
      %dma_start3A_113 = tpu.memref_slice %arg4[%multiple_of3A_111, %dma_start3A_112] : memref<327680x128xf32, #tpu.memory_space<hbm>> -> memref<128x128xf32, #tpu.memory_space<hbm>>
      %dma_start3A_114 = arith.constant 0 : i32
      %dma_start3A_115 = tpu.memref_slice %arg4[%multiple_of3A_111, %dma_start3A_114] : memref<327680x128xf32, #tpu.memory_space<hbm>> -> memref<128x128xf32, #tpu.memory_space<hbm>>
      tpu.enqueue_dma source(%arg7 : memref<128x128xf32, #tpu.memory_space<vmem>>) target(%dma_start3A_115 : memref<128x128xf32, #tpu.memory_space<hbm>>) target_semaphore(%arg17 : memref<!tpu.dma_semaphore, #tpu.memory_space<semaphore_mem>>)
      %add3A_116 = arith.constant 2 : i32
      %add3A_117 = arith.addi %add3A_67, %add3A_116 : i32
      %add3A_118 = arith.constant 5 : i32
      %add3A_119 = arith.addi %add3A_117, %add3A_118 : i32
      %sub3A_120 = arith.constant 1 : i32
      %sub3A_121 = arith.subi %add3A_119, %sub3A_120 : i32
      %lt3A_122 = arith.constant 80 : i32
      %lt3A_123 = arith.cmpi slt, %sub3A_121, %lt3A_122 : i32
      %convert_element_type3A_124 = arith.extui %lt3A_123 : i1 to i32
      %cond3A_125 = arith.constant 0 : i32
      %cond3A_126 = arith.cmpi ne, %convert_element_type3A_124, %cond3A_125 : i32
      scf.if %cond3A_126 {
        %ge3A = arith.constant 1 : i32
        %ge3A_194 = arith.cmpi sge, %add3A_117, %ge3A : i32
        %convert_element_type3A_195 = arith.extui %ge3A_194 : i1 to i32
        %cond3A_196 = arith.constant 0 : i32
        %cond3A_197 = arith.cmpi ne, %convert_element_type3A_195, %cond3A_196 : i32
        scf.if %cond3A_197 {
          %sub3A_209 = arith.constant 1 : i32
          %sub3A_210 = arith.subi %add3A_117, %sub3A_209 : i32
          %mul3A_211 = arith.constant 128 : i32
          %mul3A_212 = arith.muli %sub3A_210, %mul3A_211 : i32
          %add3A_213 = arith.addi %mul3A_2, %mul3A_212 : i32
          %multiple_of3A_214 = tpu.assume_multiple %add3A_213, 8 : i32
          %dma_wait3A_215 = arith.constant 0 : i32
          %dma_wait3A_216 = tpu.memref_slice %arg4[%multiple_of3A_214, %dma_wait3A_215] : memref<327680x128xf32, #tpu.memory_space<hbm>> -> memref<128x128xf32, #tpu.memory_space<hbm>>
          %dma_wait3A_217 = arith.constant 0 : i32
          %dma_wait3A_218 = tpu.memref_slice %arg4[%multiple_of3A_214, %dma_wait3A_217] : memref<327680x128xf32, #tpu.memory_space<hbm>> -> memref<128x128xf32, #tpu.memory_space<hbm>>
          tpu.wait_dma2 semaphore(%arg17 : memref<!tpu.dma_semaphore, #tpu.memory_space<semaphore_mem>>) src(%arg7 : memref<128x128xf32, #tpu.memory_space<vmem>>) dst(%dma_wait3A_218 : memref<128x128xf32, #tpu.memory_space<hbm>>)
        } else {
        }
        %add3A_198 = arith.constant 5 : i32
        %add3A_199 = arith.addi %add3A_117, %add3A_198 : i32
        %sub3A_200 = arith.constant 1 : i32
        %sub3A_201 = arith.subi %add3A_199, %sub3A_200 : i32
        %mul3A_202 = arith.constant 128 : i32
        %mul3A_203 = arith.muli %sub3A_201, %mul3A_202 : i32
        %multiple_of3A_204 = tpu.assume_multiple %mul3A_203, 8 : i32
        %dma_start3A_205 = tpu.memref_slice %arg5[%multiple_of3A_204] : memref<10240xi32, #tpu.memory_space<vmem>> -> memref<128xi32, #tpu.memory_space<vmem>>
        %dma_start3A_206 = arith.constant 0 : i32
        %dma_start3A_207 = arith.constant 0 : i32
        %dma_start3A_208 = tpu.memref_slice %arg2[%dma_start3A_206, %dma_start3A_207] : memref<10000x128xf32, #tpu.memory_space<hbm>> -> memref<10000x128xf32, #tpu.memory_space<hbm>>
        tpu.enqueue_indirect_dma source(%dma_start3A_208 : memref<10000x128xf32, #tpu.memory_space<hbm>>) target(%arg7 : memref<128x128xf32, #tpu.memory_space<vmem>>) offsets(%dma_start3A_205 : memref<128xi32, #tpu.memory_space<vmem>>) semaphore(%arg12 : memref<!tpu.dma_semaphore, #tpu.memory_space<semaphore_mem>>)
      } else {
      }
      %mul3A_127 = arith.constant 128 : i32
      %mul3A_128 = arith.muli %add3A_117, %mul3A_127 : i32
      %multiple_of3A_129 = tpu.assume_multiple %mul3A_128, 8 : i32
      %dma_wait3A_130 = tpu.memref_slice %arg5[%multiple_of3A_129] : memref<10240xi32, #tpu.memory_space<vmem>> -> memref<128xi32, #tpu.memory_space<vmem>>
      %dma_wait3A_131 = arith.constant 0 : i32
      %dma_wait3A_132 = arith.constant 0 : i32
      %dma_wait3A_133 = tpu.memref_slice %arg2[%dma_wait3A_131, %dma_wait3A_132] : memref<10000x128xf32, #tpu.memory_space<hbm>> -> memref<10000x128xf32, #tpu.memory_space<hbm>>
      tpu.wait_indirect_dma semaphore(%arg13 : memref<!tpu.dma_semaphore, #tpu.memory_space<semaphore_mem>>) src(%dma_wait3A_133 : memref<10000x128xf32, #tpu.memory_space<hbm>>) dst(%arg8 : memref<128x128xf32, #tpu.memory_space<vmem>>)
      %mul3A_134 = arith.constant 128 : i32
      %mul3A_135 = arith.muli %add3A_117, %mul3A_134 : i32
      %add3A_136 = arith.addi %mul3A_2, %mul3A_135 : i32
      %multiple_of3A_137 = tpu.assume_multiple %add3A_136, 8 : i32
      %dma_start3A_138 = arith.constant 0 : i32
      %dma_start3A_139 = tpu.memref_slice %arg4[%multiple_of3A_137, %dma_start3A_138] : memref<327680x128xf32, #tpu.memory_space<hbm>> -> memref<128x128xf32, #tpu.memory_space<hbm>>
      %dma_start3A_140 = arith.constant 0 : i32
      %dma_start3A_141 = tpu.memref_slice %arg4[%multiple_of3A_137, %dma_start3A_140] : memref<327680x128xf32, #tpu.memory_space<hbm>> -> memref<128x128xf32, #tpu.memory_space<hbm>>
      tpu.enqueue_dma source(%arg8 : memref<128x128xf32, #tpu.memory_space<vmem>>) target(%dma_start3A_141 : memref<128x128xf32, #tpu.memory_space<hbm>>) target_semaphore(%arg18 : memref<!tpu.dma_semaphore, #tpu.memory_space<semaphore_mem>>)
      %add3A_142 = arith.constant 3 : i32
      %add3A_143 = arith.addi %add3A_67, %add3A_142 : i32
      %add3A_144 = arith.constant 5 : i32
      %add3A_145 = arith.addi %add3A_143, %add3A_144 : i32
      %sub3A_146 = arith.constant 1 : i32
      %sub3A_147 = arith.subi %add3A_145, %sub3A_146 : i32
      %lt3A_148 = arith.constant 80 : i32
      %lt3A_149 = arith.cmpi slt, %sub3A_147, %lt3A_148 : i32
      %convert_element_type3A_150 = arith.extui %lt3A_149 : i1 to i32
      %cond3A_151 = arith.constant 0 : i32
      %cond3A_152 = arith.cmpi ne, %convert_element_type3A_150, %cond3A_151 : i32
      scf.if %cond3A_152 {
        %ge3A = arith.constant 1 : i32
        %ge3A_194 = arith.cmpi sge, %add3A_143, %ge3A : i32
        %convert_element_type3A_195 = arith.extui %ge3A_194 : i1 to i32
        %cond3A_196 = arith.constant 0 : i32
        %cond3A_197 = arith.cmpi ne, %convert_element_type3A_195, %cond3A_196 : i32
        scf.if %cond3A_197 {
          %sub3A_209 = arith.constant 1 : i32
          %sub3A_210 = arith.subi %add3A_143, %sub3A_209 : i32
          %mul3A_211 = arith.constant 128 : i32
          %mul3A_212 = arith.muli %sub3A_210, %mul3A_211 : i32
          %add3A_213 = arith.addi %mul3A_2, %mul3A_212 : i32
          %multiple_of3A_214 = tpu.assume_multiple %add3A_213, 8 : i32
          %dma_wait3A_215 = arith.constant 0 : i32
          %dma_wait3A_216 = tpu.memref_slice %arg4[%multiple_of3A_214, %dma_wait3A_215] : memref<327680x128xf32, #tpu.memory_space<hbm>> -> memref<128x128xf32, #tpu.memory_space<hbm>>
          %dma_wait3A_217 = arith.constant 0 : i32
          %dma_wait3A_218 = tpu.memref_slice %arg4[%multiple_of3A_214, %dma_wait3A_217] : memref<327680x128xf32, #tpu.memory_space<hbm>> -> memref<128x128xf32, #tpu.memory_space<hbm>>
          tpu.wait_dma2 semaphore(%arg18 : memref<!tpu.dma_semaphore, #tpu.memory_space<semaphore_mem>>) src(%arg8 : memref<128x128xf32, #tpu.memory_space<vmem>>) dst(%dma_wait3A_218 : memref<128x128xf32, #tpu.memory_space<hbm>>)
        } else {
        }
        %add3A_198 = arith.constant 5 : i32
        %add3A_199 = arith.addi %add3A_143, %add3A_198 : i32
        %sub3A_200 = arith.constant 1 : i32
        %sub3A_201 = arith.subi %add3A_199, %sub3A_200 : i32
        %mul3A_202 = arith.constant 128 : i32
        %mul3A_203 = arith.muli %sub3A_201, %mul3A_202 : i32
        %multiple_of3A_204 = tpu.assume_multiple %mul3A_203, 8 : i32
        %dma_start3A_205 = tpu.memref_slice %arg5[%multiple_of3A_204] : memref<10240xi32, #tpu.memory_space<vmem>> -> memref<128xi32, #tpu.memory_space<vmem>>
        %dma_start3A_206 = arith.constant 0 : i32
        %dma_start3A_207 = arith.constant 0 : i32
        %dma_start3A_208 = tpu.memref_slice %arg2[%dma_start3A_206, %dma_start3A_207] : memref<10000x128xf32, #tpu.memory_space<hbm>> -> memref<10000x128xf32, #tpu.memory_space<hbm>>
        tpu.enqueue_indirect_dma source(%dma_start3A_208 : memref<10000x128xf32, #tpu.memory_space<hbm>>) target(%arg8 : memref<128x128xf32, #tpu.memory_space<vmem>>) offsets(%dma_start3A_205 : memref<128xi32, #tpu.memory_space<vmem>>) semaphore(%arg13 : memref<!tpu.dma_semaphore, #tpu.memory_space<semaphore_mem>>)
      } else {
      }
      %mul3A_153 = arith.constant 128 : i32
      %mul3A_154 = arith.muli %add3A_143, %mul3A_153 : i32
      %multiple_of3A_155 = tpu.assume_multiple %mul3A_154, 8 : i32
      %dma_wait3A_156 = tpu.memref_slice %arg5[%multiple_of3A_155] : memref<10240xi32, #tpu.memory_space<vmem>> -> memref<128xi32, #tpu.memory_space<vmem>>
      %dma_wait3A_157 = arith.constant 0 : i32
      %dma_wait3A_158 = arith.constant 0 : i32
      %dma_wait3A_159 = tpu.memref_slice %arg2[%dma_wait3A_157, %dma_wait3A_158] : memref<10000x128xf32, #tpu.memory_space<hbm>> -> memref<10000x128xf32, #tpu.memory_space<hbm>>
      tpu.wait_indirect_dma semaphore(%arg14 : memref<!tpu.dma_semaphore, #tpu.memory_space<semaphore_mem>>) src(%dma_wait3A_159 : memref<10000x128xf32, #tpu.memory_space<hbm>>) dst(%arg9 : memref<128x128xf32, #tpu.memory_space<vmem>>)
      %mul3A_160 = arith.constant 128 : i32
      %mul3A_161 = arith.muli %add3A_143, %mul3A_160 : i32
      %add3A_162 = arith.addi %mul3A_2, %mul3A_161 : i32
      %multiple_of3A_163 = tpu.assume_multiple %add3A_162, 8 : i32
      %dma_start3A_164 = arith.constant 0 : i32
      %dma_start3A_165 = tpu.memref_slice %arg4[%multiple_of3A_163, %dma_start3A_164] : memref<327680x128xf32, #tpu.memory_space<hbm>> -> memref<128x128xf32, #tpu.memory_space<hbm>>
      %dma_start3A_166 = arith.constant 0 : i32
      %dma_start3A_167 = tpu.memref_slice %arg4[%multiple_of3A_163, %dma_start3A_166] : memref<327680x128xf32, #tpu.memory_space<hbm>> -> memref<128x128xf32, #tpu.memory_space<hbm>>
      tpu.enqueue_dma source(%arg9 : memref<128x128xf32, #tpu.memory_space<vmem>>) target(%dma_start3A_167 : memref<128x128xf32, #tpu.memory_space<hbm>>) target_semaphore(%arg19 : memref<!tpu.dma_semaphore, #tpu.memory_space<semaphore_mem>>)
      %add3A_168 = arith.constant 4 : i32
      %add3A_169 = arith.addi %add3A_67, %add3A_168 : i32
      %add3A_170 = arith.constant 5 : i32
      %add3A_171 = arith.addi %add3A_169, %add3A_170 : i32
      %sub3A_172 = arith.constant 1 : i32
      %sub3A_173 = arith.subi %add3A_171, %sub3A_172 : i32
      %lt3A_174 = arith.constant 80 : i32
      %lt3A_175 = arith.cmpi slt, %sub3A_173, %lt3A_174 : i32
      %convert_element_type3A_176 = arith.extui %lt3A_175 : i1 to i32
      %cond3A_177 = arith.constant 0 : i32
      %cond3A_178 = arith.cmpi ne, %convert_element_type3A_176, %cond3A_177 : i32
      scf.if %cond3A_178 {
        %ge3A = arith.constant 1 : i32
        %ge3A_194 = arith.cmpi sge, %add3A_169, %ge3A : i32
        %convert_element_type3A_195 = arith.extui %ge3A_194 : i1 to i32
        %cond3A_196 = arith.constant 0 : i32
        %cond3A_197 = arith.cmpi ne, %convert_element_type3A_195, %cond3A_196 : i32
        scf.if %cond3A_197 {
          %sub3A_209 = arith.constant 1 : i32
          %sub3A_210 = arith.subi %add3A_169, %sub3A_209 : i32
          %mul3A_211 = arith.constant 128 : i32
          %mul3A_212 = arith.muli %sub3A_210, %mul3A_211 : i32
          %add3A_213 = arith.addi %mul3A_2, %mul3A_212 : i32
          %multiple_of3A_214 = tpu.assume_multiple %add3A_213, 8 : i32
          %dma_wait3A_215 = arith.constant 0 : i32
          %dma_wait3A_216 = tpu.memref_slice %arg4[%multiple_of3A_214, %dma_wait3A_215] : memref<327680x128xf32, #tpu.memory_space<hbm>> -> memref<128x128xf32, #tpu.memory_space<hbm>>
          %dma_wait3A_217 = arith.constant 0 : i32
          %dma_wait3A_218 = tpu.memref_slice %arg4[%multiple_of3A_214, %dma_wait3A_217] : memref<327680x128xf32, #tpu.memory_space<hbm>> -> memref<128x128xf32, #tpu.memory_space<hbm>>
          tpu.wait_dma2 semaphore(%arg19 : memref<!tpu.dma_semaphore, #tpu.memory_space<semaphore_mem>>) src(%arg9 : memref<128x128xf32, #tpu.memory_space<vmem>>) dst(%dma_wait3A_218 : memref<128x128xf32, #tpu.memory_space<hbm>>)
        } else {
        }
        %add3A_198 = arith.constant 5 : i32
        %add3A_199 = arith.addi %add3A_169, %add3A_198 : i32
        %sub3A_200 = arith.constant 1 : i32
        %sub3A_201 = arith.subi %add3A_199, %sub3A_200 : i32
        %mul3A_202 = arith.constant 128 : i32
        %mul3A_203 = arith.muli %sub3A_201, %mul3A_202 : i32
        %multiple_of3A_204 = tpu.assume_multiple %mul3A_203, 8 : i32
        %dma_start3A_205 = tpu.memref_slice %arg5[%multiple_of3A_204] : memref<10240xi32, #tpu.memory_space<vmem>> -> memref<128xi32, #tpu.memory_space<vmem>>
        %dma_start3A_206 = arith.constant 0 : i32
        %dma_start3A_207 = arith.constant 0 : i32
        %dma_start3A_208 = tpu.memref_slice %arg2[%dma_start3A_206, %dma_start3A_207] : memref<10000x128xf32, #tpu.memory_space<hbm>> -> memref<10000x128xf32, #tpu.memory_space<hbm>>
        tpu.enqueue_indirect_dma source(%dma_start3A_208 : memref<10000x128xf32, #tpu.memory_space<hbm>>) target(%arg9 : memref<128x128xf32, #tpu.memory_space<vmem>>) offsets(%dma_start3A_205 : memref<128xi32, #tpu.memory_space<vmem>>) semaphore(%arg14 : memref<!tpu.dma_semaphore, #tpu.memory_space<semaphore_mem>>)
      } else {
      }
      %mul3A_179 = arith.constant 128 : i32
      %mul3A_180 = arith.muli %add3A_169, %mul3A_179 : i32
      %multiple_of3A_181 = tpu.assume_multiple %mul3A_180, 8 : i32
      %dma_wait3A_182 = tpu.memref_slice %arg5[%multiple_of3A_181] : memref<10240xi32, #tpu.memory_space<vmem>> -> memref<128xi32, #tpu.memory_space<vmem>>
      %dma_wait3A_183 = arith.constant 0 : i32
      %dma_wait3A_184 = arith.constant 0 : i32
      %dma_wait3A_185 = tpu.memref_slice %arg2[%dma_wait3A_183, %dma_wait3A_184] : memref<10000x128xf32, #tpu.memory_space<hbm>> -> memref<10000x128xf32, #tpu.memory_space<hbm>>
      tpu.wait_indirect_dma semaphore(%arg15 : memref<!tpu.dma_semaphore, #tpu.memory_space<semaphore_mem>>) src(%dma_wait3A_185 : memref<10000x128xf32, #tpu.memory_space<hbm>>) dst(%arg10 : memref<128x128xf32, #tpu.memory_space<vmem>>)
      %mul3A_186 = arith.constant 128 : i32
      %mul3A_187 = arith.muli %add3A_169, %mul3A_186 : i32
      %add3A_188 = arith.addi %mul3A_2, %mul3A_187 : i32
      %multiple_of3A_189 = tpu.assume_multiple %add3A_188, 8 : i32
      %dma_start3A_190 = arith.constant 0 : i32
      %dma_start3A_191 = tpu.memref_slice %arg4[%multiple_of3A_189, %dma_start3A_190] : memref<327680x128xf32, #tpu.memory_space<hbm>> -> memref<128x128xf32, #tpu.memory_space<hbm>>
      %dma_start3A_192 = arith.constant 0 : i32
      %dma_start3A_193 = tpu.memref_slice %arg4[%multiple_of3A_189, %dma_start3A_192] : memref<327680x128xf32, #tpu.memory_space<hbm>> -> memref<128x128xf32, #tpu.memory_space<hbm>>
      tpu.enqueue_dma source(%arg10 : memref<128x128xf32, #tpu.memory_space<vmem>>) target(%dma_start3A_193 : memref<128x128xf32, #tpu.memory_space<hbm>>) target_semaphore(%arg20 : memref<!tpu.dma_semaphore, #tpu.memory_space<semaphore_mem>>)
    }
    %scan3A_28 = arith.constant 16 : i32
    %add3A_29 = arith.constant 9600 : i32
    %add3A_30 = arith.addi %mul3A_2, %add3A_29 : i32
    %multiple_of3A_31 = tpu.assume_multiple %add3A_30, 8 : i32
    %dma_wait3A = arith.constant 0 : i32
    %dma_wait3A_32 = tpu.memref_slice %arg4[%multiple_of3A_31, %dma_wait3A] : memref<327680x128xf32, #tpu.memory_space<hbm>> -> memref<128x128xf32, #tpu.memory_space<hbm>>
    %dma_wait3A_33 = arith.constant 0 : i32
    %dma_wait3A_34 = tpu.memref_slice %arg4[%multiple_of3A_31, %dma_wait3A_33] : memref<327680x128xf32, #tpu.memory_space<hbm>> -> memref<128x128xf32, #tpu.memory_space<hbm>>
    tpu.wait_dma2 semaphore(%arg16 : memref<!tpu.dma_semaphore, #tpu.memory_space<semaphore_mem>>) src(%arg6 : memref<128x128xf32, #tpu.memory_space<vmem>>) dst(%dma_wait3A_34 : memref<128x128xf32, #tpu.memory_space<hbm>>)
    %add3A_35 = arith.constant 9728 : i32
    %add3A_36 = arith.addi %mul3A_2, %add3A_35 : i32
    %multiple_of3A_37 = tpu.assume_multiple %add3A_36, 8 : i32
    %dma_wait3A_38 = arith.constant 0 : i32
    %dma_wait3A_39 = tpu.memref_slice %arg4[%multiple_of3A_37, %dma_wait3A_38] : memref<327680x128xf32, #tpu.memory_space<hbm>> -> memref<128x128xf32, #tpu.memory_space<hbm>>
    %dma_wait3A_40 = arith.constant 0 : i32
    %dma_wait3A_41 = tpu.memref_slice %arg4[%multiple_of3A_37, %dma_wait3A_40] : memref<327680x128xf32, #tpu.memory_space<hbm>> -> memref<128x128xf32, #tpu.memory_space<hbm>>
    tpu.wait_dma2 semaphore(%arg17 : memref<!tpu.dma_semaphore, #tpu.memory_space<semaphore_mem>>) src(%arg7 : memref<128x128xf32, #tpu.memory_space<vmem>>) dst(%dma_wait3A_41 : memref<128x128xf32, #tpu.memory_space<hbm>>)
    %add3A_42 = arith.constant 9856 : i32
    %add3A_43 = arith.addi %mul3A_2, %add3A_42 : i32
    %multiple_of3A_44 = tpu.assume_multiple %add3A_43, 8 : i32
    %dma_wait3A_45 = arith.constant 0 : i32
    %dma_wait3A_46 = tpu.memref_slice %arg4[%multiple_of3A_44, %dma_wait3A_45] : memref<327680x128xf32, #tpu.memory_space<hbm>> -> memref<128x128xf32, #tpu.memory_space<hbm>>
    %dma_wait3A_47 = arith.constant 0 : i32
    %dma_wait3A_48 = tpu.memref_slice %arg4[%multiple_of3A_44, %dma_wait3A_47] : memref<327680x128xf32, #tpu.memory_space<hbm>> -> memref<128x128xf32, #tpu.memory_space<hbm>>
    tpu.wait_dma2 semaphore(%arg18 : memref<!tpu.dma_semaphore, #tpu.memory_space<semaphore_mem>>) src(%arg8 : memref<128x128xf32, #tpu.memory_space<vmem>>) dst(%dma_wait3A_48 : memref<128x128xf32, #tpu.memory_space<hbm>>)
    %add3A_49 = arith.constant 9984 : i32
    %add3A_50 = arith.addi %mul3A_2, %add3A_49 : i32
    %multiple_of3A_51 = tpu.assume_multiple %add3A_50, 8 : i32
    %dma_wait3A_52 = arith.constant 0 : i32
    %dma_wait3A_53 = tpu.memref_slice %arg4[%multiple_of3A_51, %dma_wait3A_52] : memref<327680x128xf32, #tpu.memory_space<hbm>> -> memref<128x128xf32, #tpu.memory_space<hbm>>
    %dma_wait3A_54 = arith.constant 0 : i32
    %dma_wait3A_55 = tpu.memref_slice %arg4[%multiple_of3A_51, %dma_wait3A_54] : memref<327680x128xf32, #tpu.memory_space<hbm>> -> memref<128x128xf32, #tpu.memory_space<hbm>>
    tpu.wait_dma2 semaphore(%arg19 : memref<!tpu.dma_semaphore, #tpu.memory_space<semaphore_mem>>) src(%arg9 : memref<128x128xf32, #tpu.memory_space<vmem>>) dst(%dma_wait3A_55 : memref<128x128xf32, #tpu.memory_space<hbm>>)
    %add3A_56 = arith.constant 10112 : i32
    %add3A_57 = arith.addi %mul3A_2, %add3A_56 : i32
    %multiple_of3A_58 = tpu.assume_multiple %add3A_57, 8 : i32
    %dma_wait3A_59 = arith.constant 0 : i32
    %dma_wait3A_60 = tpu.memref_slice %arg4[%multiple_of3A_58, %dma_wait3A_59] : memref<327680x128xf32, #tpu.memory_space<hbm>> -> memref<128x128xf32, #tpu.memory_space<hbm>>
    %dma_wait3A_61 = arith.constant 0 : i32
    %dma_wait3A_62 = tpu.memref_slice %arg4[%multiple_of3A_58, %dma_wait3A_61] : memref<327680x128xf32, #tpu.memory_space<hbm>> -> memref<128x128xf32, #tpu.memory_space<hbm>>
    tpu.wait_dma2 semaphore(%arg20 : memref<!tpu.dma_semaphore, #tpu.memory_space<semaphore_mem>>) src(%arg10 : memref<128x128xf32, #tpu.memory_space<vmem>>) dst(%dma_wait3A_62 : memref<128x128xf32, #tpu.memory_space<hbm>>)
    return
  }
}

module attributes {stable_mosaic.version = 14 : i64} {
  func.func @_prep_body(%arg0: memref<10000x64xf32, #tpu.memory_space<vmem>>, %arg1: memref<10000x32xi32, #tpu.memory_space<vmem>>, %arg2: memref<10000x128xf32, #tpu.memory_space<vmem>>, %arg3: memref<2560x128xi32, #tpu.memory_space<vmem>>) attributes {dimension_semantics = [], scalar_prefetch = 0 : i64, scratch_operands = 0 : i64, tpu.core_type = #tpu.core_type<tc>} {
    %get3A = arith.constant 0 : index
    %get3A_0 = arith.constant 0 : index
    %get3A_1 = vector.load %arg0[%get3A, %get3A_0] : memref<10000x64xf32, #tpu.memory_space<vmem>>, vector<10000x64xf32>
    %broadcast_in_dim3A = arith.constant 0.000000e+00 : f32
    %broadcast_in_dim3A_2 = vector.broadcast %broadcast_in_dim3A : f32 to vector<10000x64xf32>
    %concatenate3A = tpu.concatenate %get3A_1, %broadcast_in_dim3A_2 in 1 : vector<10000x64xf32>, vector<10000x64xf32> -> vector<10000x128xf32>
    %swap3A = arith.constant 0 : index
    %swap3A_3 = arith.constant 0 : index
    %swap3A_4 = vector.load %arg2[%swap3A, %swap3A_3] : memref<10000x128xf32, #tpu.memory_space<vmem>>, vector<10000x128xf32>
    tpu.vector_store %arg2[%swap3A, %swap3A_3], %concatenate3A {strides = array<i32>} : memref<10000x128xf32, #tpu.memory_space<vmem>>, vector<10000x128xf32>,
    %get3A_5 = arith.constant 0 : index
    %get3A_6 = arith.constant 0 : index
    %get3A_7 = vector.load %arg1[%get3A_5, %get3A_6] : memref<10000x32xi32, #tpu.memory_space<vmem>>, vector<10000x32xi32>
    %reshape3A = vector.shape_cast %get3A_7 : vector<10000x32xi32> to vector<2500x4x32xi32>
    %slice3A = vector.extract_strided_slice %reshape3A {offsets = [0, 0, 0], sizes = [2500, 1, 32], strides = [1, 1, 1]} : vector<2500x4x32xi32> to vector<2500x1x32xi32>
    %squeeze3A = vector.shape_cast %slice3A : vector<2500x1x32xi32> to vector<2500x32xi32>
    %slice3A_8 = vector.extract_strided_slice %reshape3A {offsets = [0, 1, 0], sizes = [2500, 1, 32], strides = [1, 1, 1]} : vector<2500x4x32xi32> to vector<2500x1x32xi32>
    %squeeze3A_9 = vector.shape_cast %slice3A_8 : vector<2500x1x32xi32> to vector<2500x32xi32>
    %slice3A_10 = vector.extract_strided_slice %reshape3A {offsets = [0, 2, 0], sizes = [2500, 1, 32], strides = [1, 1, 1]} : vector<2500x4x32xi32> to vector<2500x1x32xi32>
    %squeeze3A_11 = vector.shape_cast %slice3A_10 : vector<2500x1x32xi32> to vector<2500x32xi32>
    %slice3A_12 = vector.extract_strided_slice %reshape3A {offsets = [0, 3, 0], sizes = [2500, 1, 32], strides = [1, 1, 1]} : vector<2500x4x32xi32> to vector<2500x1x32xi32>
    %squeeze3A_13 = vector.shape_cast %slice3A_12 : vector<2500x1x32xi32> to vector<2500x32xi32>
    %concatenate3A_14 = tpu.concatenate %squeeze3A, %squeeze3A_9, %squeeze3A_11, %squeeze3A_13 in 1 : vector<2500x32xi32>, vector<2500x32xi32>, vector<2500x32xi32>, vector<2500x32xi32> -> vector<2500x128xi32>
    %broadcast_in_dim3A_15 = arith.constant 0 : i32
    %broadcast_in_dim3A_16 = vector.broadcast %broadcast_in_dim3A_15 : i32 to vector<60x128xi32>
    %concatenate3A_17 = tpu.concatenate %concatenate3A_14, %broadcast_in_dim3A_16 in 0 : vector<2500x128xi32>, vector<60x128xi32> -> vector<2560x128xi32>
    %swap3A_18 = arith.constant 0 : index
    %swap3A_19 = arith.constant 0 : index
    %swap3A_20 = vector.load %arg3[%swap3A_18, %swap3A_19] : memref<2560x128xi32, #tpu.memory_space<vmem>>, vector<2560x128xi32>
    tpu.vector_store %arg3[%swap3A_18, %swap3A_19], %concatenate3A_17 {strides = array<i32>} : memref<2560x128xi32, #tpu.memory_space<vmem>>, vector<2560x128xi32>,
    return
  }
}

module attributes {stable_mosaic.version = 14 : i64} {
  func.func @_pass0_body(%arg0: i32, %arg1: memref<1x400x32x10xf32, #tpu.memory_space<vmem>>, %arg2: memref<400x64xf32, #tpu.memory_space<vmem>>, %arg3: memref<10x32xf32, #tpu.memory_space<vmem>>, %arg4: memref<64x64xf32, #tpu.memory_space<vmem>>, %arg5: memref<400x64xf32, #tpu.memory_space<vmem>>, %arg6: memref<1x32xf32, #tpu.memory_space<vmem>>, %arg7: memref<1x32xf32, #tpu.memory_space<vmem>>, %arg8: memref<1x64xf32, #tpu.memory_space<vmem>>, %arg9: memref<1x64xf32, #tpu.memory_space<vmem>>) attributes {dimension_semantics = [#tpu.dimension_semantics<arbitrary>], iteration_bounds = array<i64: 25>, scalar_prefetch = 0 : i64, scratch_operands = 0 : i64, tpu.core_type = #tpu.core_type<tc>, window_params = [{transform_indices = @transform_0, window_bounds = array<i64: 1, 400, 32, 10>}, {transform_indices = @transform_1, window_bounds = array<i64: 400, 64>}, {pipeline_mode = #tpu.pipeline_mode<synchronous>, transform_indices = @transform_2, window_bounds = array<i64: 10, 32>}, {pipeline_mode = #tpu.pipeline_mode<synchronous>, transform_indices = @transform_3, window_bounds = array<i64: 64, 64>}, {transform_indices = @transform_4, window_bounds = array<i64: 400, 64>}, {pipeline_mode = #tpu.pipeline_mode<synchronous>, transform_indices = @transform_5, window_bounds = array<i64: 1, 32>}, {pipeline_mode = #tpu.pipeline_mode<synchronous>, transform_indices = @transform_6, window_bounds = array<i64: 1, 32>}, {pipeline_mode = #tpu.pipeline_mode<synchronous>, transform_indices = @transform_7, window_bounds = array<i64: 1, 64>}, {pipeline_mode = #tpu.pipeline_mode<synchronous>, transform_indices = @transform_8, window_bounds = array<i64: 1, 64>}]} {
    %get3A = arith.constant 0 : index
    %get3A_0 = arith.constant 0 : index
    %get3A_1 = arith.constant 0 : index
    %get3A_2 = arith.constant 0 : index
    %get3A_3 = vector.load %arg1[%get3A, %get3A_0, %get3A_1, %get3A_2] : memref<1x400x32x10xf32, #tpu.memory_space<vmem>>, vector<1x400x32x10xf32>
    %reshape3A = vector.shape_cast %get3A_3 : vector<1x400x32x10xf32> to vector<12800x10xf32>
    %get3A_4 = arith.constant 0 : index
    %get3A_5 = arith.constant 0 : index
    %get3A_6 = vector.load %arg3[%get3A_4, %get3A_5] : memref<10x32xf32, #tpu.memory_space<vmem>>, vector<10x32xf32>
    %dot_general3A = arith.constant dense<0.000000e+00> : vector<12800x32xf32>
    %dot_general3A_7 = tpu.matmul %reshape3A, %get3A_6, %dot_general3A {dimension_numbers = #tpu.dot_dimension_numbers<[1], [0], [0], [1], [0, 0, 1, 1], [], []>, transpose_lhs_hint = false} : vector<12800x10xf32>, vector<10x32xf32>, vector<12800x32xf32> -> vector<12800x32xf32>
    %get3A_8 = arith.constant 0 : index
    %get3A_9 = arith.constant 0 : index
    %get3A_10 = vector.load %arg2[%get3A_8, %get3A_9] : memref<400x64xf32, #tpu.memory_space<vmem>>, vector<400x64xf32>
    %get3A_11 = arith.constant 0 : index
    %get3A_12 = arith.constant 0 : index
    %get3A_13 = vector.load %arg4[%get3A_11, %get3A_12] : memref<64x64xf32, #tpu.memory_space<vmem>>, vector<64x64xf32>
    %dot_general3A_14 = arith.constant dense<0.000000e+00> : vector<400x64xf32>
    %dot_general3A_15 = tpu.matmul %get3A_10, %get3A_13, %dot_general3A_14 {dimension_numbers = #tpu.dot_dimension_numbers<[1], [0], [0], [1], [0, 0, 1, 1], [], []>, transpose_lhs_hint = false} : vector<400x64xf32>, vector<64x64xf32>, vector<400x64xf32> -> vector<400x64xf32>
    %swap3A = arith.constant 0 : index
    %swap3A_16 = arith.constant 0 : index
    %swap3A_17 = vector.load %arg5[%swap3A, %swap3A_16] : memref<400x64xf32, #tpu.memory_space<vmem>>, vector<400x64xf32>
    tpu.vector_store %arg5[%swap3A, %swap3A_16], %dot_general3A_15 {strides = array<i32>} : memref<400x64xf32, #tpu.memory_space<vmem>>, vector<400x64xf32>,
    %eq3A = arith.constant 0 : i32
    %eq3A_18 = arith.cmpi eq, %arg0, %eq3A : i32
    %convert_element_type3A = arith.extui %eq3A_18 : i1 to i32
    %cond3A = arith.constant 0 : i32
    %cond3A_19 = arith.cmpi ne, %convert_element_type3A, %cond3A : i32
    scf.if %cond3A_19 {
      %broadcast_in_dim3A_58 = arith.constant 0.000000e+00 : f32
      %broadcast_in_dim3A_59 = vector.broadcast %broadcast_in_dim3A_58 : f32 to vector<1x32xf32>
      %swap3A_60 = arith.constant 0 : index
      %swap3A_61 = arith.constant 0 : index
      %swap3A_62 = vector.load %arg6[%swap3A_60, %swap3A_61] : memref<1x32xf32, #tpu.memory_space<vmem>>, vector<1x32xf32>
      tpu.vector_store %arg6[%swap3A_60, %swap3A_61], %broadcast_in_dim3A_59 {strides = array<i32>} : memref<1x32xf32, #tpu.memory_space<vmem>>, vector<1x32xf32>,
      %broadcast_in_dim3A_63 = arith.constant 0.000000e+00 : f32
      %broadcast_in_dim3A_64 = vector.broadcast %broadcast_in_dim3A_63 : f32 to vector<1x32xf32>
      %swap3A_65 = arith.constant 0 : index
      %swap3A_66 = arith.constant 0 : index
      %swap3A_67 = vector.load %arg7[%swap3A_65, %swap3A_66] : memref<1x32xf32, #tpu.memory_space<vmem>>, vector<1x32xf32>
      tpu.vector_store %arg7[%swap3A_65, %swap3A_66], %broadcast_in_dim3A_64 {strides = array<i32>} : memref<1x32xf32, #tpu.memory_space<vmem>>, vector<1x32xf32>,
      %broadcast_in_dim3A_68 = arith.constant 0.000000e+00 : f32
      %broadcast_in_dim3A_69 = vector.broadcast %broadcast_in_dim3A_68 : f32 to vector<1x64xf32>
      %swap3A_70 = arith.constant 0 : index
      %swap3A_71 = arith.constant 0 : index
      %swap3A_72 = vector.load %arg8[%swap3A_70, %swap3A_71] : memref<1x64xf32, #tpu.memory_space<vmem>>, vector<1x64xf32>
      tpu.vector_store %arg8[%swap3A_70, %swap3A_71], %broadcast_in_dim3A_69 {strides = array<i32>} : memref<1x64xf32, #tpu.memory_space<vmem>>, vector<1x64xf32>,
      %broadcast_in_dim3A_73 = arith.constant 0.000000e+00 : f32
      %broadcast_in_dim3A_74 = vector.broadcast %broadcast_in_dim3A_73 : f32 to vector<1x64xf32>
      %swap3A_75 = arith.constant 0 : index
      %swap3A_76 = arith.constant 0 : index
      %swap3A_77 = vector.load %arg9[%swap3A_75, %swap3A_76] : memref<1x64xf32, #tpu.memory_space<vmem>>, vector<1x64xf32>
      tpu.vector_store %arg9[%swap3A_75, %swap3A_76], %broadcast_in_dim3A_74 {strides = array<i32>} : memref<1x64xf32, #tpu.memory_space<vmem>>, vector<1x64xf32>,
    } else {
    }
    %get3A_20 = arith.constant 0 : index
    %get3A_21 = arith.constant 0 : index
    %get3A_22 = vector.load %arg6[%get3A_20, %get3A_21] : memref<1x32xf32, #tpu.memory_space<vmem>>, vector<1x32xf32>
    %reduce_sum3A = arith.constant dense<0.000000e+00> : vector<32xf32>
    %reduce_sum3A_23 = vector.multi_reduction <add>, %dot_general3A_7, %reduce_sum3A [0] : vector<12800x32xf32> to vector<32xf32>
    %broadcast_in_dim3A = vector.shape_cast %reduce_sum3A_23 : vector<32xf32> to vector<1x32xf32>
    %add3A = arith.addf %get3A_22, %broadcast_in_dim3A : vector<1x32xf32>
    %swap3A_24 = arith.constant 0 : index
    %swap3A_25 = arith.constant 0 : index
    %swap3A_26 = vector.load %arg6[%swap3A_24, %swap3A_25] : memref<1x32xf32, #tpu.memory_space<vmem>>, vector<1x32xf32>
    tpu.vector_store %arg6[%swap3A_24, %swap3A_25], %add3A {strides = array<i32>} : memref<1x32xf32, #tpu.memory_space<vmem>>, vector<1x32xf32>,
    %get3A_27 = arith.constant 0 : index
    %get3A_28 = arith.constant 0 : index
    %get3A_29 = vector.load %arg7[%get3A_27, %get3A_28] : memref<1x32xf32, #tpu.memory_space<vmem>>, vector<1x32xf32>
    %mul3A = arith.mulf %dot_general3A_7, %dot_general3A_7 : vector<12800x32xf32>
    %reduce_sum3A_30 = arith.constant dense<0.000000e+00> : vector<32xf32>
    %reduce_sum3A_31 = vector.multi_reduction <add>, %mul3A, %reduce_sum3A_30 [0] : vector<12800x32xf32> to vector<32xf32>
    %broadcast_in_dim3A_32 = vector.shape_cast %reduce_sum3A_31 : vector<32xf32> to vector<1x32xf32>
    %add3A_33 = arith.addf %get3A_29, %broadcast_in_dim3A_32 : vector<1x32xf32>
    %swap3A_34 = arith.constant 0 : index
    %swap3A_35 = arith.constant 0 : index
    %swap3A_36 = vector.load %arg7[%swap3A_34, %swap3A_35] : memref<1x32xf32, #tpu.memory_space<vmem>>, vector<1x32xf32>
    tpu.vector_store %arg7[%swap3A_34, %swap3A_35], %add3A_33 {strides = array<i32>} : memref<1x32xf32, #tpu.memory_space<vmem>>, vector<1x32xf32>,
    %get3A_37 = arith.constant 0 : index
    %get3A_38 = arith.constant 0 : index
    %get3A_39 = vector.load %arg8[%get3A_37, %get3A_38] : memref<1x64xf32, #tpu.memory_space<vmem>>, vector<1x64xf32>
    %reduce_sum3A_40 = arith.constant dense<0.000000e+00> : vector<64xf32>
    %reduce_sum3A_41 = vector.multi_reduction <add>, %dot_general3A_15, %reduce_sum3A_40 [0] : vector<400x64xf32> to vector<64xf32>
    %broadcast_in_dim3A_42 = vector.shape_cast %reduce_sum3A_41 : vector<64xf32> to vector<1x64xf32>
    %add3A_43 = arith.addf %get3A_39, %broadcast_in_dim3A_42 : vector<1x64xf32>
    %swap3A_44 = arith.constant 0 : index
    %swap3A_45 = arith.constant 0 : index
    %swap3A_46 = vector.load %arg8[%swap3A_44, %swap3A_45] : memref<1x64xf32, #tpu.memory_space<vmem>>, vector<1x64xf32>
    tpu.vector_store %arg8[%swap3A_44, %swap3A_45], %add3A_43 {strides = array<i32>} : memref<1x64xf32, #tpu.memory_space<vmem>>, vector<1x64xf32>,
    %get3A_47 = arith.constant 0 : index
    %get3A_48 = arith.constant 0 : index
    %get3A_49 = vector.load %arg9[%get3A_47, %get3A_48] : memref<1x64xf32, #tpu.memory_space<vmem>>, vector<1x64xf32>
    %mul3A_50 = arith.mulf %dot_general3A_15, %dot_general3A_15 : vector<400x64xf32>
    %reduce_sum3A_51 = arith.constant dense<0.000000e+00> : vector<64xf32>
    %reduce_sum3A_52 = vector.multi_reduction <add>, %mul3A_50, %reduce_sum3A_51 [0] : vector<400x64xf32> to vector<64xf32>
    %broadcast_in_dim3A_53 = vector.shape_cast %reduce_sum3A_52 : vector<64xf32> to vector<1x64xf32>
    %add3A_54 = arith.addf %get3A_49, %broadcast_in_dim3A_53 : vector<1x64xf32>
    %swap3A_55 = arith.constant 0 : index
    %swap3A_56 = arith.constant 0 : index
    %swap3A_57 = vector.load %arg9[%swap3A_55, %swap3A_56] : memref<1x64xf32, #tpu.memory_space<vmem>>, vector<1x64xf32>
    tpu.vector_store %arg9[%swap3A_55, %swap3A_56], %add3A_54 {strides = array<i32>} : memref<1x64xf32, #tpu.memory_space<vmem>>, vector<1x64xf32>,
    return
  }
  func.func @transform_0(%arg0: i32) -> (i32, i32, i32, i32) {
    %c0_i32 = arith.constant 0 : i32
    %c0_i32_0 = arith.constant 0 : i32
    %c0_i32_1 = arith.constant 0 : i32
    %c0_i32_2 = arith.constant 0 : i32
    return %c0_i32, %arg0, %c0_i32_0, %c0_i32_1 : i32, i32, i32, i32
  }
  func.func @transform_1(%arg0: i32) -> (i32, i32) {
    %c0_i32 = arith.constant 0 : i32
    %c0_i32_0 = arith.constant 0 : i32
    return %arg0, %c0_i32 : i32, i32
  }
  func.func @transform_2(%arg0: i32) -> (i32, i32) {
    %c0_i32 = arith.constant 0 : i32
    %c0_i32_0 = arith.constant 0 : i32
    %c0_i32_1 = arith.constant 0 : i32
    return %c0_i32, %c0_i32_0 : i32, i32
  }
  func.func @transform_3(%arg0: i32) -> (i32, i32) {
    %c0_i32 = arith.constant 0 : i32
    %c0_i32_0 = arith.constant 0 : i32
    %c0_i32_1 = arith.constant 0 : i32
    return %c0_i32, %c0_i32_0 : i32, i32
  }
  func.func @transform_4(%arg0: i32) -> (i32, i32) {
    %c0_i32 = arith.constant 0 : i32
    %c0_i32_0 = arith.constant 0 : i32
    return %arg0, %c0_i32 : i32, i32
  }
  func.func @transform_5(%arg0: i32) -> (i32, i32) {
    %c0_i32 = arith.constant 0 : i32
    %c0_i32_0 = arith.constant 0 : i32
    %c0_i32_1 = arith.constant 0 : i32
    return %c0_i32, %c0_i32_0 : i32, i32
  }
  func.func @transform_6(%arg0: i32) -> (i32, i32) {
    %c0_i32 = arith.constant 0 : i32
    %c0_i32_0 = arith.constant 0 : i32
    %c0_i32_1 = arith.constant 0 : i32
    return %c0_i32, %c0_i32_0 : i32, i32
  }
  func.func @transform_7(%arg0: i32) -> (i32, i32) {
    %c0_i32 = arith.constant 0 : i32
    %c0_i32_0 = arith.constant 0 : i32
    %c0_i32_1 = arith.constant 0 : i32
    return %c0_i32, %c0_i32_0 : i32, i32
  }
  func.func @transform_8(%arg0: i32) -> (i32, i32) {
    %c0_i32 = arith.constant 0 : i32
    %c0_i32_0 = arith.constant 0 : i32
    %c0_i32_1 = arith.constant 0 : i32
    return %c0_i32, %c0_i32_0 : i32, i32
  }
}

module attributes {stable_mosaic.version = 14 : i64} {
  func.func @_passA_body(%arg0: i32, %arg1: memref<1x400x32x10xf32, #tpu.memory_space<vmem>>, %arg2: memref<12800x128xf32, #tpu.memory_space<vmem>>, %arg3: memref<10x32xf32, #tpu.memory_space<vmem>>, %arg4: memref<1x32xf32, #tpu.memory_space<vmem>>, %arg5: memref<128x96xf32, #tpu.memory_space<vmem>>, %arg6: memref<32x96xf32, #tpu.memory_space<vmem>>, %arg7: memref<1x96xf32, #tpu.memory_space<vmem>>, %arg8: memref<1x96xf32, #tpu.memory_space<vmem>>) attributes {dimension_semantics = [#tpu.dimension_semantics<arbitrary>], iteration_bounds = array<i64: 25>, scalar_prefetch = 0 : i64, scratch_operands = 0 : i64, tpu.core_type = #tpu.core_type<tc>, window_params = [{transform_indices = @transform_0, window_bounds = array<i64: 1, 400, 32, 10>}, {transform_indices = @transform_1, window_bounds = array<i64: 12800, 128>}, {pipeline_mode = #tpu.pipeline_mode<synchronous>, transform_indices = @transform_2, window_bounds = array<i64: 10, 32>}, {pipeline_mode = #tpu.pipeline_mode<synchronous>, transform_indices = @transform_3, window_bounds = array<i64: 1, 32>}, {pipeline_mode = #tpu.pipeline_mode<synchronous>, transform_indices = @transform_4, window_bounds = array<i64: 128, 96>}, {pipeline_mode = #tpu.pipeline_mode<synchronous>, transform_indices = @transform_5, window_bounds = array<i64: 32, 96>}, {pipeline_mode = #tpu.pipeline_mode<synchronous>, transform_indices = @transform_6, window_bounds = array<i64: 1, 96>}, {pipeline_mode = #tpu.pipeline_mode<synchronous>, transform_indices = @transform_7, window_bounds = array<i64: 1, 96>}]} {
    %get3A = arith.constant 0 : index
    %get3A_0 = arith.constant 0 : index
    %get3A_1 = arith.constant 0 : index
    %get3A_2 = arith.constant 0 : index
    %get3A_3 = vector.load %arg1[%get3A, %get3A_0, %get3A_1, %get3A_2] : memref<1x400x32x10xf32, #tpu.memory_space<vmem>>, vector<1x400x32x10xf32>
    %reshape3A = vector.shape_cast %get3A_3 : vector<1x400x32x10xf32> to vector<12800x10xf32>
    %get3A_4 = arith.constant 0 : index
    %get3A_5 = arith.constant 0 : index
    %get3A_6 = vector.load %arg3[%get3A_4, %get3A_5] : memref<10x32xf32, #tpu.memory_space<vmem>>, vector<10x32xf32>
    %dot_general3A = arith.constant dense<0.000000e+00> : vector<12800x32xf32>
    %dot_general3A_7 = tpu.matmul %reshape3A, %get3A_6, %dot_general3A {dimension_numbers = #tpu.dot_dimension_numbers<[1], [0], [0], [1], [0, 0, 1, 1], [], []>, transpose_lhs_hint = false} : vector<12800x10xf32>, vector<10x32xf32>, vector<12800x32xf32> -> vector<12800x32xf32>
    %get3A_8 = arith.constant 0 : index
    %get3A_9 = arith.constant 0 : index
    %get3A_10 = vector.load %arg4[%get3A_8, %get3A_9] : memref<1x32xf32, #tpu.memory_space<vmem>>, vector<1x32xf32>
    %add3A = vector.broadcast %get3A_10 : vector<1x32xf32> to vector<12800x32xf32>
    %add3A_11 = arith.addf %dot_general3A_7, %add3A : vector<12800x32xf32>
    %ge3A = arith.constant 0.000000e+00 : f32
    %ge3A_12 = vector.broadcast %ge3A : f32 to vector<12800x32xf32>
    %ge3A_13 = arith.cmpf oge, %add3A_11, %ge3A_12 : vector<12800x32xf32>
    %mul3A = arith.constant 2.000000e-01 : f32
    %mul3A_14 = vector.broadcast %mul3A : f32 to vector<12800x32xf32>
    %mul3A_15 = arith.mulf %mul3A_14, %add3A_11 : vector<12800x32xf32>
    %select_n3A = arith.select %ge3A_13, %add3A_11, %mul3A_15 : vector<12800x32xi1>, vector<12800x32xf32>
    %get3A_16 = arith.constant 0 : index
    %get3A_17 = arith.constant 0 : index
    %get3A_18 = vector.load %arg2[%get3A_16, %get3A_17] : memref<12800x128xf32, #tpu.memory_space<vmem>>, vector<12800x128xf32>
    %get3A_19 = arith.constant 0 : index
    %get3A_20 = arith.constant 0 : index
    %get3A_21 = vector.load %arg5[%get3A_19, %get3A_20] : memref<128x96xf32, #tpu.memory_space<vmem>>, vector<128x96xf32>
    %dot_general3A_22 = arith.constant dense<0.000000e+00> : vector<12800x96xf32>
    %dot_general3A_23 = tpu.matmul %get3A_18, %get3A_21, %dot_general3A_22 {dimension_numbers = #tpu.dot_dimension_numbers<[1], [0], [0], [1], [0, 0, 1, 1], [], []>, transpose_lhs_hint = false} : vector<12800x128xf32>, vector<128x96xf32>, vector<12800x96xf32> -> vector<12800x96xf32>
    %get3A_24 = arith.constant 0 : index
    %get3A_25 = arith.constant 0 : index
    %get3A_26 = vector.load %arg6[%get3A_24, %get3A_25] : memref<32x96xf32, #tpu.memory_space<vmem>>, vector<32x96xf32>
    %dot_general3A_27 = arith.constant dense<0.000000e+00> : vector<12800x96xf32>
    %dot_general3A_28 = tpu.matmul %select_n3A, %get3A_26, %dot_general3A_27 {dimension_numbers = #tpu.dot_dimension_numbers<[1], [0], [0], [1], [0, 0, 1, 1], [], []>, transpose_lhs_hint = false} : vector<12800x32xf32>, vector<32x96xf32>, vector<12800x96xf32> -> vector<12800x96xf32>
    %add3A_29 = arith.addf %dot_general3A_23, %dot_general3A_28 : vector<12800x96xf32>
    %eq3A = arith.constant 0 : i32
    %eq3A_30 = arith.cmpi eq, %arg0, %eq3A : i32
    %convert_element_type3A = arith.extui %eq3A_30 : i1 to i32
    %cond3A = arith.constant 0 : i32
    %cond3A_31 = arith.cmpi ne, %convert_element_type3A, %cond3A : i32
    scf.if %cond3A_31 {
      %broadcast_in_dim3A_50 = arith.constant 0.000000e+00 : f32
      %broadcast_in_dim3A_51 = vector.broadcast %broadcast_in_dim3A_50 : f32 to vector<1x96xf32>
      %swap3A_52 = arith.constant 0 : index
      %swap3A_53 = arith.constant 0 : index
      %swap3A_54 = vector.load %arg7[%swap3A_52, %swap3A_53] : memref<1x96xf32, #tpu.memory_space<vmem>>, vector<1x96xf32>
      tpu.vector_store %arg7[%swap3A_52, %swap3A_53], %broadcast_in_dim3A_51 {strides = array<i32>} : memref<1x96xf32, #tpu.memory_space<vmem>>, vector<1x96xf32>,
      %broadcast_in_dim3A_55 = arith.constant 0.000000e+00 : f32
      %broadcast_in_dim3A_56 = vector.broadcast %broadcast_in_dim3A_55 : f32 to vector<1x96xf32>
      %swap3A_57 = arith.constant 0 : index
      %swap3A_58 = arith.constant 0 : index
      %swap3A_59 = vector.load %arg8[%swap3A_57, %swap3A_58] : memref<1x96xf32, #tpu.memory_space<vmem>>, vector<1x96xf32>
      tpu.vector_store %arg8[%swap3A_57, %swap3A_58], %broadcast_in_dim3A_56 {strides = array<i32>} : memref<1x96xf32, #tpu.memory_space<vmem>>, vector<1x96xf32>,
    } else {
    }
    %get3A_32 = arith.constant 0 : index
    %get3A_33 = arith.constant 0 : index
    %get3A_34 = vector.load %arg7[%get3A_32, %get3A_33] : memref<1x96xf32, #tpu.memory_space<vmem>>, vector<1x96xf32>
    %reduce_sum3A = arith.constant dense<0.000000e+00> : vector<96xf32>
    %reduce_sum3A_35 = vector.multi_reduction <add>, %add3A_29, %reduce_sum3A [0] : vector<12800x96xf32> to vector<96xf32>
    %broadcast_in_dim3A = vector.shape_cast %reduce_sum3A_35 : vector<96xf32> to vector<1x96xf32>
    %add3A_36 = arith.addf %get3A_34, %broadcast_in_dim3A : vector<1x96xf32>
    %swap3A = arith.constant 0 : index
    %swap3A_37 = arith.constant 0 : index
    %swap3A_38 = vector.load %arg7[%swap3A, %swap3A_37] : memref<1x96xf32, #tpu.memory_space<vmem>>, vector<1x96xf32>
    tpu.vector_store %arg7[%swap3A, %swap3A_37], %add3A_36 {strides = array<i32>} : memref<1x96xf32, #tpu.memory_space<vmem>>, vector<1x96xf32>,
    %get3A_39 = arith.constant 0 : index
    %get3A_40 = arith.constant 0 : index
    %get3A_41 = vector.load %arg8[%get3A_39, %get3A_40] : memref<1x96xf32, #tpu.memory_space<vmem>>, vector<1x96xf32>
    %mul3A_42 = arith.mulf %add3A_29, %add3A_29 : vector<12800x96xf32>
    %reduce_sum3A_43 = arith.constant dense<0.000000e+00> : vector<96xf32>
    %reduce_sum3A_44 = vector.multi_reduction <add>, %mul3A_42, %reduce_sum3A_43 [0] : vector<12800x96xf32> to vector<96xf32>
    %broadcast_in_dim3A_45 = vector.shape_cast %reduce_sum3A_44 : vector<96xf32> to vector<1x96xf32>
    %add3A_46 = arith.addf %get3A_41, %broadcast_in_dim3A_45 : vector<1x96xf32>
    %swap3A_47 = arith.constant 0 : index
    %swap3A_48 = arith.constant 0 : index
    %swap3A_49 = vector.load %arg8[%swap3A_47, %swap3A_48] : memref<1x96xf32, #tpu.memory_space<vmem>>, vector<1x96xf32>
    tpu.vector_store %arg8[%swap3A_47, %swap3A_48], %add3A_46 {strides = array<i32>} : memref<1x96xf32, #tpu.memory_space<vmem>>, vector<1x96xf32>,
    return
  }
  func.func @transform_0(%arg0: i32) -> (i32, i32, i32, i32) {
    %c0_i32 = arith.constant 0 : i32
    %c0_i32_0 = arith.constant 0 : i32
    %c0_i32_1 = arith.constant 0 : i32
    %c0_i32_2 = arith.constant 0 : i32
    return %c0_i32, %arg0, %c0_i32_0, %c0_i32_1 : i32, i32, i32, i32
  }
  func.func @transform_1(%arg0: i32) -> (i32, i32) {
    %c0_i32 = arith.constant 0 : i32
    %c0_i32_0 = arith.constant 0 : i32
    return %arg0, %c0_i32 : i32, i32
  }
  func.func @transform_2(%arg0: i32) -> (i32, i32) {
    %c0_i32 = arith.constant 0 : i32
    %c0_i32_0 = arith.constant 0 : i32
    %c0_i32_1 = arith.constant 0 : i32
    return %c0_i32, %c0_i32_0 : i32, i32
  }
  func.func @transform_3(%arg0: i32) -> (i32, i32) {
    %c0_i32 = arith.constant 0 : i32
    %c0_i32_0 = arith.constant 0 : i32
    %c0_i32_1 = arith.constant 0 : i32
    return %c0_i32, %c0_i32_0 : i32, i32
  }
  func.func @transform_4(%arg0: i32) -> (i32, i32) {
    %c0_i32 = arith.constant 0 : i32
    %c0_i32_0 = arith.constant 0 : i32
    %c0_i32_1 = arith.constant 0 : i32
    return %c0_i32, %c0_i32_0 : i32, i32
  }
  func.func @transform_5(%arg0: i32) -> (i32, i32) {
    %c0_i32 = arith.constant 0 : i32
    %c0_i32_0 = arith.constant 0 : i32
    %c0_i32_1 = arith.constant 0 : i32
    return %c0_i32, %c0_i32_0 : i32, i32
  }
  func.func @transform_6(%arg0: i32) -> (i32, i32) {
    %c0_i32 = arith.constant 0 : i32
    %c0_i32_0 = arith.constant 0 : i32
    %c0_i32_1 = arith.constant 0 : i32
    return %c0_i32, %c0_i32_0 : i32, i32
  }
  func.func @transform_7(%arg0: i32) -> (i32, i32) {
    %c0_i32 = arith.constant 0 : i32
    %c0_i32_0 = arith.constant 0 : i32
    %c0_i32_1 = arith.constant 0 : i32
    return %c0_i32, %c0_i32_0 : i32, i32
  }
}

module attributes {stable_mosaic.version = 14 : i64} {
  func.func @_passB_body(%arg0: i32, %arg1: memref<1x400x32x10xf32, #tpu.memory_space<vmem>>, %arg2: memref<12800x128xf32, #tpu.memory_space<vmem>>, %arg3: memref<10x32xf32, #tpu.memory_space<vmem>>, %arg4: memref<1x32xf32, #tpu.memory_space<vmem>>, %arg5: memref<128x96xf32, #tpu.memory_space<vmem>>, %arg6: memref<32x96xf32, #tpu.memory_space<vmem>>, %arg7: memref<1x96xf32, #tpu.memory_space<vmem>>, %arg8: memref<96x96xf32, #tpu.memory_space<vmem>>, %arg9: memref<96x64xf32, #tpu.memory_space<vmem>>, %arg10: memref<400x64xf32, #tpu.memory_space<vmem>>, %arg11: memref<1x64xf32, #tpu.memory_space<vmem>>, %arg12: memref<1x64xf32, #tpu.memory_space<vmem>>) attributes {dimension_semantics = [#tpu.dimension_semantics<arbitrary>], iteration_bounds = array<i64: 25>, scalar_prefetch = 0 : i64, scratch_operands = 0 : i64, tpu.core_type = #tpu.core_type<tc>, window_params = [{transform_indices = @transform_0, window_bounds = array<i64: 1, 400, 32, 10>}, {transform_indices = @transform_1, window_bounds = array<i64: 12800, 128>}, {pipeline_mode = #tpu.pipeline_mode<synchronous>, transform_indices = @transform_2, window_bounds = array<i64: 10, 32>}, {pipeline_mode = #tpu.pipeline_mode<synchronous>, transform_indices = @transform_3, window_bounds = array<i64: 1, 32>}, {pipeline_mode = #tpu.pipeline_mode<synchronous>, transform_indices = @transform_4, window_bounds = array<i64: 128, 96>}, {pipeline_mode = #tpu.pipeline_mode<synchronous>, transform_indices = @transform_5, window_bounds = array<i64: 32, 96>}, {pipeline_mode = #tpu.pipeline_mode<synchronous>, transform_indices = @transform_6, window_bounds = array<i64: 1, 96>}, {pipeline_mode = #tpu.pipeline_mode<synchronous>, transform_indices = @transform_7, window_bounds = array<i64: 96, 96>}, {pipeline_mode = #tpu.pipeline_mode<synchronous>, transform_indices = @transform_8, window_bounds = array<i64: 96, 64>}, {transform_indices = @transform_9, window_bounds = array<i64: 400, 64>}, {pipeline_mode = #tpu.pipeline_mode<synchronous>, transform_indices = @transform_10, window_bounds = array<i64: 1, 64>}, {pipeline_mode = #tpu.pipeline_mode<synchronous>, transform_indices = @transform_11, window_bounds = array<i64: 1, 64>}]} {
    %get3A = arith.constant 0 : index
    %get3A_0 = arith.constant 0 : index
    %get3A_1 = arith.constant 0 : index
    %get3A_2 = arith.constant 0 : index
    %get3A_3 = vector.load %arg1[%get3A, %get3A_0, %get3A_1, %get3A_2] : memref<1x400x32x10xf32, #tpu.memory_space<vmem>>, vector<1x400x32x10xf32>
    %reshape3A = vector.shape_cast %get3A_3 : vector<1x400x32x10xf32> to vector<12800x10xf32>
    %get3A_4 = arith.constant 0 : index
    %get3A_5 = arith.constant 0 : index
    %get3A_6 = vector.load %arg3[%get3A_4, %get3A_5] : memref<10x32xf32, #tpu.memory_space<vmem>>, vector<10x32xf32>
    %dot_general3A = arith.constant dense<0.000000e+00> : vector<12800x32xf32>
    %dot_general3A_7 = tpu.matmul %reshape3A, %get3A_6, %dot_general3A {dimension_numbers = #tpu.dot_dimension_numbers<[1], [0], [0], [1], [0, 0, 1, 1], [], []>, transpose_lhs_hint = false} : vector<12800x10xf32>, vector<10x32xf32>, vector<12800x32xf32> -> vector<12800x32xf32>
    %get3A_8 = arith.constant 0 : index
    %get3A_9 = arith.constant 0 : index
    %get3A_10 = vector.load %arg4[%get3A_8, %get3A_9] : memref<1x32xf32, #tpu.memory_space<vmem>>, vector<1x32xf32>
    %add3A = vector.broadcast %get3A_10 : vector<1x32xf32> to vector<12800x32xf32>
    %add3A_11 = arith.addf %dot_general3A_7, %add3A : vector<12800x32xf32>
    %ge3A = arith.constant 0.000000e+00 : f32
    %ge3A_12 = vector.broadcast %ge3A : f32 to vector<12800x32xf32>
    %ge3A_13 = arith.cmpf oge, %add3A_11, %ge3A_12 : vector<12800x32xf32>
    %mul3A = arith.constant 2.000000e-01 : f32
    %mul3A_14 = vector.broadcast %mul3A : f32 to vector<12800x32xf32>
    %mul3A_15 = arith.mulf %mul3A_14, %add3A_11 : vector<12800x32xf32>
    %select_n3A = arith.select %ge3A_13, %add3A_11, %mul3A_15 : vector<12800x32xi1>, vector<12800x32xf32>
    %get3A_16 = arith.constant 0 : index
    %get3A_17 = arith.constant 0 : index
    %get3A_18 = vector.load %arg2[%get3A_16, %get3A_17] : memref<12800x128xf32, #tpu.memory_space<vmem>>, vector<12800x128xf32>
    %get3A_19 = arith.constant 0 : index
    %get3A_20 = arith.constant 0 : index
    %get3A_21 = vector.load %arg5[%get3A_19, %get3A_20] : memref<128x96xf32, #tpu.memory_space<vmem>>, vector<128x96xf32>
    %dot_general3A_22 = arith.constant dense<0.000000e+00> : vector<12800x96xf32>
    %dot_general3A_23 = tpu.matmul %get3A_18, %get3A_21, %dot_general3A_22 {dimension_numbers = #tpu.dot_dimension_numbers<[1], [0], [0], [1], [0, 0, 1, 1], [], []>, transpose_lhs_hint = false} : vector<12800x128xf32>, vector<128x96xf32>, vector<12800x96xf32> -> vector<12800x96xf32>
    %get3A_24 = arith.constant 0 : index
    %get3A_25 = arith.constant 0 : index
    %get3A_26 = vector.load %arg6[%get3A_24, %get3A_25] : memref<32x96xf32, #tpu.memory_space<vmem>>, vector<32x96xf32>
    %dot_general3A_27 = arith.constant dense<0.000000e+00> : vector<12800x96xf32>
    %dot_general3A_28 = tpu.matmul %select_n3A, %get3A_26, %dot_general3A_27 {dimension_numbers = #tpu.dot_dimension_numbers<[1], [0], [0], [1], [0, 0, 1, 1], [], []>, transpose_lhs_hint = false} : vector<12800x32xf32>, vector<32x96xf32>, vector<12800x96xf32> -> vector<12800x96xf32>
    %add3A_29 = arith.addf %dot_general3A_23, %dot_general3A_28 : vector<12800x96xf32>
    %get3A_30 = arith.constant 0 : index
    %get3A_31 = arith.constant 0 : index
    %get3A_32 = vector.load %arg7[%get3A_30, %get3A_31] : memref<1x96xf32, #tpu.memory_space<vmem>>, vector<1x96xf32>
    %add3A_33 = vector.broadcast %get3A_32 : vector<1x96xf32> to vector<12800x96xf32>
    %add3A_34 = arith.addf %add3A_29, %add3A_33 : vector<12800x96xf32>
    %ge3A_35 = arith.constant 0.000000e+00 : f32
    %ge3A_36 = vector.broadcast %ge3A_35 : f32 to vector<12800x96xf32>
    %ge3A_37 = arith.cmpf oge, %add3A_34, %ge3A_36 : vector<12800x96xf32>
    %mul3A_38 = arith.constant 2.000000e-01 : f32
    %mul3A_39 = vector.broadcast %mul3A_38 : f32 to vector<12800x96xf32>
    %mul3A_40 = arith.mulf %mul3A_39, %add3A_34 : vector<12800x96xf32>
    %select_n3A_41 = arith.select %ge3A_37, %add3A_34, %mul3A_40 : vector<12800x96xi1>, vector<12800x96xf32>
    %get3A_42 = arith.constant 0 : index
    %get3A_43 = arith.constant 0 : index
    %get3A_44 = vector.load %arg8[%get3A_42, %get3A_43] : memref<96x96xf32, #tpu.memory_space<vmem>>, vector<96x96xf32>
    %dot_general3A_45 = arith.constant dense<0.000000e+00> : vector<12800x96xf32>
    %dot_general3A_46 = tpu.matmul %select_n3A_41, %get3A_44, %dot_general3A_45 {dimension_numbers = #tpu.dot_dimension_numbers<[1], [0], [0], [1], [0, 0, 1, 1], [], []>, transpose_lhs_hint = false} : vector<12800x96xf32>, vector<96x96xf32>, vector<12800x96xf32> -> vector<12800x96xf32>
    %reshape3A_47 = vector.shape_cast %dot_general3A_46 : vector<12800x96xf32> to vector<400x32x96xf32>
    %reshape3A_48 = vector.shape_cast %select_n3A_41 : vector<12800x96xf32> to vector<400x32x96xf32>
    %exp3A = math.exp %reshape3A_47 : vector<400x32x96xf32>
    %reduce_sum3A = arith.constant dense<0.000000e+00> : vector<400x96xf32>
    %reduce_sum3A_49 = vector.multi_reduction <add>, %exp3A, %reduce_sum3A [1] : vector<400x32x96xf32> to vector<400x96xf32>
    %mul3A_50 = arith.mulf %exp3A, %reshape3A_48 : vector<400x32x96xf32>
    %reduce_sum3A_51 = arith.constant dense<0.000000e+00> : vector<400x96xf32>
    %reduce_sum3A_52 = vector.multi_reduction <add>, %mul3A_50, %reduce_sum3A_51 [1] : vector<400x32x96xf32> to vector<400x96xf32>
    %div3A = arith.divf %reduce_sum3A_52, %reduce_sum3A_49 : vector<400x96xf32>
    %get3A_53 = arith.constant 0 : index
    %get3A_54 = arith.constant 0 : index
    %get3A_55 = vector.load %arg9[%get3A_53, %get3A_54] : memref<96x64xf32, #tpu.memory_space<vmem>>, vector<96x64xf32>
    %dot_general3A_56 = arith.constant dense<0.000000e+00> : vector<400x64xf32>
    %dot_general3A_57 = tpu.matmul %div3A, %get3A_55, %dot_general3A_56 {dimension_numbers = #tpu.dot_dimension_numbers<[1], [0], [0], [1], [0, 0, 1, 1], [], []>, transpose_lhs_hint = false} : vector<400x96xf32>, vector<96x64xf32>, vector<400x64xf32> -> vector<400x64xf32>
    %swap3A = arith.constant 0 : index
    %swap3A_58 = arith.constant 0 : index
    %swap3A_59 = vector.load %arg10[%swap3A, %swap3A_58] : memref<400x64xf32, #tpu.memory_space<vmem>>, vector<400x64xf32>
    tpu.vector_store %arg10[%swap3A, %swap3A_58], %dot_general3A_57 {strides = array<i32>} : memref<400x64xf32, #tpu.memory_space<vmem>>, vector<400x64xf32>,
    %eq3A = arith.constant 0 : i32
    %eq3A_60 = arith.cmpi eq, %arg0, %eq3A : i32
    %convert_element_type3A = arith.extui %eq3A_60 : i1 to i32
    %cond3A = arith.constant 0 : i32
    %cond3A_61 = arith.cmpi ne, %convert_element_type3A, %cond3A : i32
    scf.if %cond3A_61 {
      %broadcast_in_dim3A_82 = arith.constant 0.000000e+00 : f32
      %broadcast_in_dim3A_83 = vector.broadcast %broadcast_in_dim3A_82 : f32 to vector<1x64xf32>
      %swap3A_84 = arith.constant 0 : index
      %swap3A_85 = arith.constant 0 : index
      %swap3A_86 = vector.load %arg11[%swap3A_84, %swap3A_85] : memref<1x64xf32, #tpu.memory_space<vmem>>, vector<1x64xf32>
      tpu.vector_store %arg11[%swap3A_84, %swap3A_85], %broadcast_in_dim3A_83 {strides = array<i32>} : memref<1x64xf32, #tpu.memory_space<vmem>>, vector<1x64xf32>,
      %broadcast_in_dim3A_87 = arith.constant 0.000000e+00 : f32
      %broadcast_in_dim3A_88 = vector.broadcast %broadcast_in_dim3A_87 : f32 to vector<1x64xf32>
      %swap3A_89 = arith.constant 0 : index
      %swap3A_90 = arith.constant 0 : index
      %swap3A_91 = vector.load %arg12[%swap3A_89, %swap3A_90] : memref<1x64xf32, #tpu.memory_space<vmem>>, vector<1x64xf32>
      tpu.vector_store %arg12[%swap3A_89, %swap3A_90], %broadcast_in_dim3A_88 {strides = array<i32>} : memref<1x64xf32, #tpu.memory_space<vmem>>, vector<1x64xf32>,
    } else {
    }
    %get3A_62 = arith.constant 0 : index
    %get3A_63 = arith.constant 0 : index
    %get3A_64 = vector.load %arg11[%get3A_62, %get3A_63] : memref<1x64xf32, #tpu.memory_space<vmem>>, vector<1x64xf32>
    %reduce_sum3A_65 = arith.constant dense<0.000000e+00> : vector<64xf32>
    %reduce_sum3A_66 = vector.multi_reduction <add>, %dot_general3A_57, %reduce_sum3A_65 [0] : vector<400x64xf32> to vector<64xf32>
    %broadcast_in_dim3A = vector.shape_cast %reduce_sum3A_66 : vector<64xf32> to vector<1x64xf32>
    %add3A_67 = arith.addf %get3A_64, %broadcast_in_dim3A : vector<1x64xf32>
    %swap3A_68 = arith.constant 0 : index
    %swap3A_69 = arith.constant 0 : index
    %swap3A_70 = vector.load %arg11[%swap3A_68, %swap3A_69] : memref<1x64xf32, #tpu.memory_space<vmem>>, vector<1x64xf32>
    tpu.vector_store %arg11[%swap3A_68, %swap3A_69], %add3A_67 {strides = array<i32>} : memref<1x64xf32, #tpu.memory_space<vmem>>, vector<1x64xf32>,
    %get3A_71 = arith.constant 0 : index
    %get3A_72 = arith.constant 0 : index
    %get3A_73 = vector.load %arg12[%get3A_71, %get3A_72] : memref<1x64xf32, #tpu.memory_space<vmem>>, vector<1x64xf32>
    %mul3A_74 = arith.mulf %dot_general3A_57, %dot_general3A_57 : vector<400x64xf32>
    %reduce_sum3A_75 = arith.constant dense<0.000000e+00> : vector<64xf32>
    %reduce_sum3A_76 = vector.multi_reduction <add>, %mul3A_74, %reduce_sum3A_75 [0] : vector<400x64xf32> to vector<64xf32>
    %broadcast_in_dim3A_77 = vector.shape_cast %reduce_sum3A_76 : vector<64xf32> to vector<1x64xf32>
    %add3A_78 = arith.addf %get3A_73, %broadcast_in_dim3A_77 : vector<1x64xf32>
    %swap3A_79 = arith.constant 0 : index
    %swap3A_80 = arith.constant 0 : index
    %swap3A_81 = vector.load %arg12[%swap3A_79, %swap3A_80] : memref<1x64xf32, #tpu.memory_space<vmem>>, vector<1x64xf32>
    tpu.vector_store %arg12[%swap3A_79, %swap3A_80], %add3A_78 {strides = array<i32>} : memref<1x64xf32, #tpu.memory_space<vmem>>, vector<1x64xf32>,
    return
  }
  func.func @transform_0(%arg0: i32) -> (i32, i32, i32, i32) {
    %c0_i32 = arith.constant 0 : i32
    %c0_i32_0 = arith.constant 0 : i32
    %c0_i32_1 = arith.constant 0 : i32
    %c0_i32_2 = arith.constant 0 : i32
    return %c0_i32, %arg0, %c0_i32_0, %c0_i32_1 : i32, i32, i32, i32
  }
  func.func @transform_1(%arg0: i32) -> (i32, i32) {
    %c0_i32 = arith.constant 0 : i32
    %c0_i32_0 = arith.constant 0 : i32
    return %arg0, %c0_i32 : i32, i32
  }
  func.func @transform_2(%arg0: i32) -> (i32, i32) {
    %c0_i32 = arith.constant 0 : i32
    %c0_i32_0 = arith.constant 0 : i32
    %c0_i32_1 = arith.constant 0 : i32
    return %c0_i32, %c0_i32_0 : i32, i32
  }
  func.func @transform_3(%arg0: i32) -> (i32, i32) {
    %c0_i32 = arith.constant 0 : i32
    %c0_i32_0 = arith.constant 0 : i32
    %c0_i32_1 = arith.constant 0 : i32
    return %c0_i32, %c0_i32_0 : i32, i32
  }
  func.func @transform_4(%arg0: i32) -> (i32, i32) {
    %c0_i32 = arith.constant 0 : i32
    %c0_i32_0 = arith.constant 0 : i32
    %c0_i32_1 = arith.constant 0 : i32
    return %c0_i32, %c0_i32_0 : i32, i32
  }
  func.func @transform_5(%arg0: i32) -> (i32, i32) {
    %c0_i32 = arith.constant 0 : i32
    %c0_i32_0 = arith.constant 0 : i32
    %c0_i32_1 = arith.constant 0 : i32
    return %c0_i32, %c0_i32_0 : i32, i32
  }
  func.func @transform_6(%arg0: i32) -> (i32, i32) {
    %c0_i32 = arith.constant 0 : i32
    %c0_i32_0 = arith.constant 0 : i32
    %c0_i32_1 = arith.constant 0 : i32
    return %c0_i32, %c0_i32_0 : i32, i32
  }
  func.func @transform_7(%arg0: i32) -> (i32, i32) {
    %c0_i32 = arith.constant 0 : i32
    %c0_i32_0 = arith.constant 0 : i32
    %c0_i32_1 = arith.constant 0 : i32
    return %c0_i32, %c0_i32_0 : i32, i32
  }
  func.func @transform_8(%arg0: i32) -> (i32, i32) {
    %c0_i32 = arith.constant 0 : i32
    %c0_i32_0 = arith.constant 0 : i32
    %c0_i32_1 = arith.constant 0 : i32
    return %c0_i32, %c0_i32_0 : i32, i32
  }
  func.func @transform_9(%arg0: i32) -> (i32, i32) {
    %c0_i32 = arith.constant 0 : i32
    %c0_i32_0 = arith.constant 0 : i32
    return %arg0, %c0_i32 : i32, i32
  }
  func.func @transform_10(%arg0: i32) -> (i32, i32) {
    %c0_i32 = arith.constant 0 : i32
    %c0_i32_0 = arith.constant 0 : i32
    %c0_i32_1 = arith.constant 0 : i32
    return %c0_i32, %c0_i32_0 : i32, i32
  }
  func.func @transform_11(%arg0: i32) -> (i32, i32) {
    %c0_i32 = arith.constant 0 : i32
    %c0_i32_0 = arith.constant 0 : i32
    %c0_i32_1 = arith.constant 0 : i32
    return %c0_i32, %c0_i32_0 : i32, i32
  }
}

module attributes {stable_mosaic.version = 14 : i64} {
  func.func @_passC_body(%arg0: i32, %arg1: memref<400x64xf32, #tpu.memory_space<vmem>>, %arg2: memref<400x64xf32, #tpu.memory_space<vmem>>, %arg3: memref<1x64xf32, #tpu.memory_space<vmem>>, %arg4: memref<1x64xf32, #tpu.memory_space<vmem>>, %arg5: memref<1x64xf32, #tpu.memory_space<vmem>>, %arg6: memref<400x64xf32, #tpu.memory_space<vmem>>) attributes {dimension_semantics = [#tpu.dimension_semantics<arbitrary>], iteration_bounds = array<i64: 25>, scalar_prefetch = 0 : i64, scratch_operands = 0 : i64, tpu.core_type = #tpu.core_type<tc>, window_params = [{transform_indices = @transform_0, window_bounds = array<i64: 400, 64>}, {transform_indices = @transform_1, window_bounds = array<i64: 400, 64>}, {pipeline_mode = #tpu.pipeline_mode<synchronous>, transform_indices = @transform_2, window_bounds = array<i64: 1, 64>}, {pipeline_mode = #tpu.pipeline_mode<synchronous>, transform_indices = @transform_3, window_bounds = array<i64: 1, 64>}, {pipeline_mode = #tpu.pipeline_mode<synchronous>, transform_indices = @transform_4, window_bounds = array<i64: 1, 64>}, {transform_indices = @transform_5, window_bounds = array<i64: 400, 64>}]} {
    %get3A = arith.constant 0 : index
    %get3A_0 = arith.constant 0 : index
    %get3A_1 = vector.load %arg1[%get3A, %get3A_0] : memref<400x64xf32, #tpu.memory_space<vmem>>, vector<400x64xf32>
    %get3A_2 = arith.constant 0 : index
    %get3A_3 = arith.constant 0 : index
    %get3A_4 = vector.load %arg3[%get3A_2, %get3A_3] : memref<1x64xf32, #tpu.memory_space<vmem>>, vector<1x64xf32>
    %mul3A = vector.broadcast %get3A_4 : vector<1x64xf32> to vector<400x64xf32>
    %mul3A_5 = arith.mulf %get3A_1, %mul3A : vector<400x64xf32>
    %get3A_6 = arith.constant 0 : index
    %get3A_7 = arith.constant 0 : index
    %get3A_8 = vector.load %arg2[%get3A_6, %get3A_7] : memref<400x64xf32, #tpu.memory_space<vmem>>, vector<400x64xf32>
    %get3A_9 = arith.constant 0 : index
    %get3A_10 = arith.constant 0 : index
    %get3A_11 = vector.load %arg4[%get3A_9, %get3A_10] : memref<1x64xf32, #tpu.memory_space<vmem>>, vector<1x64xf32>
    %mul3A_12 = vector.broadcast %get3A_11 : vector<1x64xf32> to vector<400x64xf32>
    %mul3A_13 = arith.mulf %get3A_8, %mul3A_12 : vector<400x64xf32>
    %add3A = arith.addf %mul3A_5, %mul3A_13 : vector<400x64xf32>
    %get3A_14 = arith.constant 0 : index
    %get3A_15 = arith.constant 0 : index
    %get3A_16 = vector.load %arg5[%get3A_14, %get3A_15] : memref<1x64xf32, #tpu.memory_space<vmem>>, vector<1x64xf32>
    %add3A_17 = vector.broadcast %get3A_16 : vector<1x64xf32> to vector<400x64xf32>
    %add3A_18 = arith.addf %add3A, %add3A_17 : vector<400x64xf32>
    %ge3A = arith.constant 0.000000e+00 : f32
    %ge3A_19 = vector.broadcast %ge3A : f32 to vector<400x64xf32>
    %ge3A_20 = arith.cmpf oge, %add3A_18, %ge3A_19 : vector<400x64xf32>
    %mul3A_21 = arith.constant 2.000000e-01 : f32
    %mul3A_22 = vector.broadcast %mul3A_21 : f32 to vector<400x64xf32>
    %mul3A_23 = arith.mulf %mul3A_22, %add3A_18 : vector<400x64xf32>
    %select_n3A = arith.select %ge3A_20, %add3A_18, %mul3A_23 : vector<400x64xi1>, vector<400x64xf32>
    %swap3A = arith.constant 0 : index
    %swap3A_24 = arith.constant 0 : index
    %swap3A_25 = vector.load %arg6[%swap3A, %swap3A_24] : memref<400x64xf32, #tpu.memory_space<vmem>>, vector<400x64xf32>
    tpu.vector_store %arg6[%swap3A, %swap3A_24], %select_n3A {strides = array<i32>} : memref<400x64xf32, #tpu.memory_space<vmem>>, vector<400x64xf32>,
    return
  }
  func.func @transform_0(%arg0: i32) -> (i32, i32) {
    %c0_i32 = arith.constant 0 : i32
    %c0_i32_0 = arith.constant 0 : i32
    return %arg0, %c0_i32 : i32, i32
  }
  func.func @transform_1(%arg0: i32) -> (i32, i32) {
    %c0_i32 = arith.constant 0 : i32
    %c0_i32_0 = arith.constant 0 : i32
    return %arg0, %c0_i32 : i32, i32
  }
  func.func @transform_2(%arg0: i32) -> (i32, i32) {
    %c0_i32 = arith.constant 0 : i32
    %c0_i32_0 = arith.constant 0 : i32
    %c0_i32_1 = arith.constant 0 : i32
    return %c0_i32, %c0_i32_0 : i32, i32
  }
  func.func @transform_3(%arg0: i32) -> (i32, i32) {
    %c0_i32 = arith.constant 0 : i32
    %c0_i32_0 = arith.constant 0 : i32
    %c0_i32_1 = arith.constant 0 : i32
    return %c0_i32, %c0_i32_0 : i32, i32
  }
  func.func @transform_4(%arg0: i32) -> (i32, i32) {
    %c0_i32 = arith.constant 0 : i32
    %c0_i32_0 = arith.constant 0 : i32
    %c0_i32_1 = arith.constant 0 : i32
    return %c0_i32, %c0_i32_0 : i32, i32
  }
  func.func @transform_5(%arg0: i32) -> (i32, i32) {
    %c0_i32 = arith.constant 0 : i32
    %c0_i32_0 = arith.constant 0 : i32
    return %arg0, %c0_i32 : i32, i32
  }
}

</mosaic_0001>

<sc_bundles>
// kernel: kernel.8.cloned.1.call-start
scs
__scs_entry_jumppad:
0x0: {  	(pc) =	sbr.rel $0x88, $3  }
0x1: {  	(tag) =	ssettag $0x0;
	lr =	simm.s32 $0x1  }
0x2: {  	[smem:$0x3F91] =	sst lr;
	_ =	strace $0xD0000000  }
0x3: {  	_ = 	snop  }
0x4: {  	_ = 	snop  }
0x5: {  	_ = 	snop  }
0x6: {  	_ = 	snop  }
0x7: {  	_ = 	snop  }
__scs_overlays_trampoline_lowered:
0x8: {  	[smem:$0x3FA0] =	sst s0  }
0x9: {  	[smem:$0x3FA1] =	sst s1  }
0xa: {  	[smem:$0x3FA2] =	sst s2  }
0xb: {  	[smem:$0x3FA3] =	sst s3  }
0xc: {  	[smem:$0x3FA4] =	sst s4  }
0xd: {  	[smem:$0x3FA5] =	sst s5  }
0xe: {  	[smem:$0x3FA6] =	sst s6  }
0xf: {  	[smem:$0x3FA7] =	sst s7  }
0x10: {  	[smem:$0x3FA8] =	sst s8  }
0x11: {  	[smem:$0x3FA9] =	sst s9;
	s0 =	simm.s32 @!p0 $0x0  }
0x12: {  	s1 =	sld [smem:$0x3F8F];
	s0 =	simm.s32 @p0 $0x1  }
0x13: {  	[smem:$0x3FAA] =	sst s0;
	s0 =	simm.s32 @!p1 $0x0  }
0x14: {  	s2 =	sld [smem:$0x3F8E];
	s0 =	simm.s32 @p1 $0x1  }
0x15: {  	[smem:$0x3FAB] =	sst s0;
	s0 =	simm.s32 @!p2 $0x0  }
0x16: {  	s3 =	sld [smem:$0x3FDB];
	s0 =	simm.s32 @p2 $0x1  }
0x17: {  	s4 =	simm.s32 $0x1BF5;
	[smem:$0x3FAD] =	sst s0  }
0x18: {  	s0 =	sld [smem:$0x3F90];
	_ =	swait.ge [sflag:s4], $0x0  }
0x19: {  	s7 =	sld [smem:$0x3F91]  }
0x1a: {  	s8 =	sadd.s32 $0xFFFFE003, lr  }
0x1b: {  	s9 =	sadd.s32 $0xFFFFFEF7, lr;
	s5 =	simm.s32 $0xFFFFFFFF;
	p2 =	slt.u32 s8, $0xFFFFF086  }
0x1c: {  	p1 =	slt.u32 s9, $0xF7A;
	s5 =	simm.s32 @!p2 $0x0  }
0x1d: {  	s5 =	simm.s32 @p1 $0x1;
	p0 =	seq.s32 s7, s2  }
0x1e: {  	s7 =	smul.u32 @!p0 $0xF7A, s2;
	p2 =	seq.s32 @!p0 s5, $0x0  }
0x1f: {  	s9 =	smul.u32 $0xF7A, s1;
	s8 =	simm.s32 @!p0 $0x1BF5;
	p2 =	por !p2, p0  }
0x20: {  	[sflag:s8] =	ssyncset.s32 @!p0 $0xFFFFF086;
	s6 =	sadd.s32 @!p0 s3, s7;
	s7 =	simm.s32 @!p0 $0x108  }
0x21: {  	s3 =	sadd.s32 s3, s9;
	s6 =	sadd.s32 @!p0 $0x88, s6;
	s7 =	simm.s32 @p2 $0x1082  }
0x22: {  	[simem:s7], [sflag:s8] =	dma.local @!p0 [hbm:s6], $0xF7A  }
0x23: {  	s9 =	sor.u32 $0xD0000000, s2;
	s6 =	simm.s32 $0x108;
	_ =	swait.ge @!p0 [sflag:s8], $0x0  }
0x24: {  	s3 =	sadd.s32 $0x88, s3;
	s6 =	simm.s32 @!p1 $0x1082;
	[sflag:s4] =	ssyncset.s32 $0xFFFFF086  }
0x25: {  	[simem:s6], [sflag:s4] =	dma.local [hbm:s3], $0xF7A  }
0x26: {  	[smem:$0x3F91] =	sst s1;
	(tag) =	ssettag s2;
	_ =	strace s9  }
0x27: {  	s1 =	sld [smem:$0x3FA1]  }
0x28: {  	s2 =	sld [smem:$0x3FA2]  }
0x29: {  	s4 =	sld [smem:$0x3FA4]  }
0x2a: {  	p0 =	seq.s32 s5, $0x0;
	s5 =	sld [smem:$0x3FA5]  }
0x2b: {  	s6 =	sld [smem:$0x3FA6]  }
0x2c: {  	s7 =	sld [smem:$0x3FA7]  }
0x2d: {  	s3 =	simm.s32 $0x108;
	s8 =	sld [smem:$0x3FA8]  }
0x2e: {  	s3 =	simm.s32 @!p0 $0x1082;
	s9 =	sld [smem:$0x3FA9]  }
0x2f: {  	lr =	sadd.s32 s0, s3;
	s0 =	sld [smem:$0x3FA0]  }
0x30: {  	s3 =	sld [smem:$0x3FA3]  }
0x31: {  	[smem:$0x3FAC] =	sst s10  }
0x32: {  	s10 =	sld [smem:$0x3FAA];
	_ =	sdelay $0x3  }
0x33: {  	p0 =	seq.s32 s10, $0x1;
	s10 =	sld [smem:$0x3FAC];
	_ =	sdelay $0x3  }
0x34: {  	[smem:$0x3FAC] =	sst s10  }
0x35: {  	s10 =	sld [smem:$0x3FAB];
	_ =	sdelay $0x3  }
0x36: {  	p1 =	seq.s32 s10, $0x1;
	s10 =	sld [smem:$0x3FAC];
	_ =	sdelay $0x3  }
0x37: {  	[smem:$0x3FAC] =	sst s10  }
0x38: {  	s10 =	sld [smem:$0x3FAD]  }
0x39: {  	_ = 	snop;
	(pc) =	sbr.ind lr, $3  }
0x3a: {  	_ = 	snop  }
0x3b: {  	_ = 	snop  }
0x3c: {  	p2 =	seq.s32 s10, $0x1;
	s10 =	sld [smem:$0x3FAC]  }
0x3d: {  	_ =	shalt  }
0x3e: {  	_ =	shalt  }
0x3f: {  	_ =	shalt  }
0x40: {  	_ =	shalt  }
0x41: {  	_ =	shalt  }
0x42: {  	_ =	shalt  }
0x43: {  	_ =	shalt  }
0x44: {  	_ =	shalt  }
0x45: {  	_ =	shalt  }
0x46: {  	_ =	shalt  }
0x47: {  	_ =	shalt  }
0x48: {  	_ =	shalt  }
0x49: {  	_ =	shalt  }
0x4a: {  	_ =	shalt  }
0x4b: {  	_ =	shalt  }
0x4c: {  	_ =	shalt  }
0x4d: {  	_ =	shalt  }
0x4e: {  	_ =	shalt  }
0x4f: {  	_ =	shalt  }
0x50: {  	_ =	shalt  }
0x51: {  	_ =	shalt  }
0x52: {  	_ =	shalt  }
0x53: {  	_ =	shalt  }
0x54: {  	_ =	shalt  }
0x55: {  	_ =	shalt  }
0x56: {  	_ =	shalt  }
0x57: {  	_ =	shalt  }
0x58: {  	_ =	shalt  }
0x59: {  	_ =	shalt  }
0x5a: {  	_ =	shalt  }
0x5b: {  	_ =	shalt  }
0x5c: {  	_ =	shalt  }
0x5d: {  	_ =	shalt  }
0x5e: {  	_ =	shalt  }
0x5f: {  	_ =	shalt  }
0x60: {  	_ =	shalt  }
0x61: {  	_ =	shalt  }
0x62: {  	_ =	shalt  }
0x63: {  	_ =	shalt  }
0x64: {  	_ =	shalt  }
0x65: {  	_ =	shalt  }
0x66: {  	_ =	shalt  }
0x67: {  	_ =	shalt  }
0x68: {  	_ =	shalt  }
0x69: {  	_ =	shalt  }
0x6a: {  	_ =	shalt  }
0x6b: {  	_ =	shalt  }
0x6c: {  	_ =	shalt  }
0x6d: {  	_ =	shalt  }
0x6e: {  	_ =	shalt  }
0x6f: {  	_ =	shalt  }
0x70: {  	_ =	shalt  }
0x71: {  	_ =	shalt  }
0x72: {  	_ =	shalt  }
0x73: {  	_ =	shalt  }
0x74: {  	_ =	shalt  }
0x75: {  	_ =	shalt  }
0x76: {  	_ =	shalt  }
0x77: {  	_ =	shalt  }
0x78: {  	_ =	shalt  }
0x79: {  	_ =	shalt  }
0x7a: {  	_ =	shalt  }
0x7b: {  	_ =	shalt  }
0x7c: {  	_ =	shalt  }
0x7d: {  	_ =	shalt  }
0x7e: {  	_ =	shalt  }
0x7f: {  	_ =	shalt  }
0x80: {  	_ =	shalt  }
0x81: {  	_ =	shalt  }
0x82: {  	_ =	shalt  }
0x83: {  	_ =	shalt  }
0x84: {  	_ =	shalt  }
0x85: {  	_ =	shalt  }
0x86: {  	_ =	shalt  }
0x87: {  	_ =	shalt  }
.Lfunc_end0:
.L_simem_size_0:
called_computation_lowered:
.L_overlay_start_0:
0x88: {  	s2 =	sld [smem:$0x3FD9]  }
0x89: {  	s3 =	sld [smem:$0x3FFE];
	_ =	sdelay $0x1  }
0x8a: {  	s1 =	srdreg.scid  }
0x8b: {  	s0 =	sand.u32 $0x1, s1  }
0x8c: {  	s17 =	sshll.u32 s0, $0xA;
	s2 =	sadd.s32 s3, s2  }
0x8d: {  	s2 =	sadd.s32 s2, s17  }
0x8e: {  	[smem:$0x3FB8] =	sst s2  }
0x8f: {  	_ = 	snop  }
0x90: {  	s2 =	sld [smem:$0x3FD0];
	(tm) =	ssettm $0x1  }
0x91: {  	s18 =	sld [smem:$0x3FFB];
	_ =	sdelay $0x3  }
0x92: {  	_ =	strace s18  }
0x93: {  	s3 =	sld [smem:$0x3FFC];
	_ =	sdelay $0x3  }
0x94: {  	_ =	strace s3  }
0x95: {  	s3 =	sld [smem:$0x3FFD];
	_ =	sdelay $0x3  }
0x96: {  	_ =	strace s3  }
0x97: {  	_ =	strace $0x8FFFFFFF  }
0x98: {  	s19 =	sld [smem:$0x3FDB];
	_ =	sdelay $0x1  }
0x99: {  	s4 =	simm.s32 $_scs_section_size  }
0x9a: {  	s5 =	simm.s32 $_size__tile_overlayer_lowered;
	s6 =	simm.s32 $_tile_overlayer_lowered  }
0x9b: {  	s22 =	simm.s32 $0x1BFF;
	s21 =	sshll.u32 s6, $0x1;
	s3 =	sadd.s32 s4, s19  }
0x9c: {  	s7 =	simm.s32 $0x0;
	s20 =	sshll.u32 s5, $0x1;
	s5 =	sadd.s32 s21, s3  }
0x9d: {  	[timem:s7], [sflag:s22] =	dma.local [hbm:s5], s20  }
0x9e: {  	_ =	swait.ge [sflag:s22], s20  }
0x9f: {  	s4 =	ssub.s32 $0x0, s20;
	[sflag:s22] =	ssyncset.done $0x0  }
0xa0: {  	[sflag:s22] =	ssyncadd.s32 s4;
	_ =	sdelay $0x1  }
0xa1: {  	s23 =	simm.s32 $0x1B8B  }
0xa2: {  	_ =	swait.ge [sflag:s23], $0x1  }
0xa3: {  	[sflag:s23] =	ssyncset.done $0x0  }
0xa4: {  	s25 =	simm.s32 $0x1B8E;
	s24 =	sld [smem:$0x3FFE];
	[sflag:s23] =	ssyncadd.s32 $0xFFFFFFFF  }
0xa5: {  	s26 =	simm.s32 $execute0_lowered;
	[smem:$0x3FD2] =	sst s25  }
0xa6: {  	s5 =	sshll.u32 s26, $0x1;
	_ =	strace $0x80000046;
	[dreg:$0x1] =	wrdreg $0xFFFFFFFF  }
0xa7: {  	s28 =	simm.s32 $_size_execute0_lowered;
	s3 =	sadd.s32 s3, s5;
	[dreg:$0x0] =	wrdreg $0x0  }
0xa8: {  	s5 =	sshll.u32 s28, $0x1;
	[dreg:$0x2] =	wrdreg s3  }
0xa9: {  	[dreg:$0x3] =	wrdreg s5  }
0xaa: {  	[dreg:$0x4] =	wrdreg $0xC0  }
0xab: {  	_ =	task [dreg:s7], $0x5FFFF  }
0xac: {  	[dreg:$0x1] =	wrdreg $0xFFFFFFFF  }
0xad: {  	[dreg:$0x0] =	wrdreg $0x60  }
0xae: {  	[dreg:$0x2] =	wrdreg s24  }
0xaf: {  	[dreg:$0x3] =	wrdreg s2  }
0xb0: {  	[dreg:$0x4] =	wrdreg $0x9  }
0xb1: {  	_ =	task.clear_ibuf [dreg:s7], $0x5FFFF;
	_ =	strace $0x90000046  }
0xb2: {  	s29 =	simm.s32 $0x9;
	_ =	strace $0x80000048  }
0xb3: {  	_ =	swait.ge [sflag:s29], $0x1  }
0xb4: {  	[sflag:s29] =	ssyncadd.s32 $0xFFFFFFFF  }
0xb5: {  	_ =	strace $0x90000048  }
0xb6: {  	_ =	sfence  }
0xb7: {  	s30 =	sld [smem:$0x0];
	_ =	sdelay $0x2  }
0xb8: {  	s31 =	sshll.u32 s1, $0xD;
	s1 =	sshrl.u32 s1, $0x2  }
0xb9: {  	s3 =	sand.u32 $0x4000, s31;
	s1 =	sadd.s32 s1, s30  }
0xba: {  	s0 =	sor.u32 s3, s0;
	s1 =	sshll.u32 s1, $0x11  }
0xbb: {  	s0 =	sor.u32 s1, s0  }
0xbc: {  	s0 =	sadd.s32 $0x8F2B, s0  }
0xbd: {  	[sflag:s0] =	ssyncadd.remote.s32 $0x1  }
0xbe: {  	_ =	sfence.sel $0xFFFF  }
0xbf: {  	[dreg:$0x0] =	wrdreg $0xFFFFFFFF;
	(pc) =	sbr.abs _section_cstart, $3  }
0xc0: {  	[dreg:$0x1] =	wrdreg $0xFFFFFFFF  }
0xc1: {  	_ =	task.clear_ibuf [dreg:s7], $0x2FFFF;
	_ =	strace $0x9FFFFFFF  }
0xc2: {  	(tm) =	ssettm $0x7FFFFFFF  }
0xc3: {  	_ =	shalt  }
tec
execute0_lowered:
.L_overlay_start_1:
0x0: {  	(tag) =	ssettag $0x1  }
0x1: {  	s0 =	rddreg [dreg:$0x0]  }
0x2: {  	s1 =	rddreg [dreg:$0x1]  }
0x3: {  	s3 =	srdreg.scid;
	s11 =	stileid.u32;
	s2 =	simm.s32 $0x0  }
0x4: {  	s12 =	simm.s32 $0x2800;
	s15 =	simm.s32 $0xA800;
	s18 =	simm.s32 $0x12800  }
0x5: {  	s19 =	simm.s32 $0x1;
	s20 =	simm.s32 $0x3;
	s23 =	smul.u32 $0x50000, s11  }
0x6: {  	s28 =	simm.s32 $0x0;
	s4 =	sand.u32 $0x1, s3;
	s26 =	smul.u32 $0x280000, s11  }
0x7: {  	s21 =	sshll.u32 s11, $0x1;
	[smem:$0x7FF] =	sst s2;
	s25 =	smul.u32 $0x28000, s4  }
0x8: {  	s5 =	sor.u32 s4, s21;
	s7 =	ssub.s32 $0x2, s4;
	s4 =	smul.u32 $0x140000, s4  }
0x9: {  	s3 =	sadd.s32 $0x2B400, s0;
	s0 =	sadd.s32 $0x52600, s0;
	s6 =	smul.u32 $0x2800, s5  }
0xa: {  	s11 =	simm.s32 $0x80;
	_ =	strace $0x80000047;
	s8 =	smul.u32 $0x140000, s5  }
0xb: {  	s21 =	simm.s32 $0x5;
	s9 =	sshrl.u32 s7, $0x1;
	s10 =	smul.u32 $0x28000, s5  }
0xc: {  	s22 =	ssub.s32 s7, s9;
	s30 =	sadd.s32 s4, s26;
	s26 =	simm.s32 $0xA  }
0xd: {  	s6 =	sshrl.u32 s6, $0x3;
	s5 =	smax.u32 s22, $0x1;
	s24 =	sadd.s32 s0, s10  }
0xe: {  	s8 =	sshrl.u32 s8, $0x3;
	s4 =	sor.u32 $0x10000, s30;
	s31 =	sor.u32 $0xC000, s30  }
0xf: {  	s1 =	sadd.s32 s1, s6;
	[dreg:$0x6] =	wrdreg s5;
	s6 =	sadd.s32 $0x26000, s24  }
0x10: {  	s8 =	sadd.s32 s0, s8;
	[dreg:$0x5] =	wrdreg s1;
	s1 =	sadd.s32 s23, s0  }
0x11: {  	s4 =	sshrl.u32 s4, $0x3;
	s7 =	sshrl.u32 s31, $0x3;
	s1 =	sadd.s32 s25, s1  }
0x12: {  	[dreg:$0x3] =	wrdreg s6;
	s6 =	sadd.s32 $0x800, s1;
	s1 =	sor.u32 $0x8000, s30  }
0x13: {  	s29 =	sadd.s32 $0x27000, s8;
	s14 =	sadd.s32 s4, s0;
	s1 =	sshrl.u32 s1, $0x3  }
0x14: {  	s8 =	sadd.s32 s7, s0;
	[dreg:$0x4] =	wrdreg s29;
	s9 =	sadd.s32 s1, s0  }
.LBB2_1:
0x15: {  	s0 =	rddreg [dreg:$0x5];
	s16 =	simm.s32 $0xB  }
0x16: {  	[tilespmem:s2], [sflag:$0xB] =	stream.linear.gather [hbm4b:s0+s2], $0x2800, $0x38;
	[tilespmem:$0x16800] =	vst v63  }
0x17: {  	_ =	swait.ge [sflag:s16], $0x2800  }
0x18: {  	[sflag:s16] =	ssyncset.done $0x0  }
0x19: {  	[sflag:s16] =	ssyncadd.s32 $0xFFFFD800  }
0x1a: {  	[tilespmem:s12], [sflag:$0x1] =	stream.indirect.gather [hbm4b:s3+s11], $0x80, s2, s11, $0xb8;
	[tilespmem:$0x16800] =	vst v63  }
0x1b: {  	s17 =	simm.s32 $0x6800  }
0x1c: {  	[tilespmem:s17], [sflag:$0x2] =	stream.indirect.gather [hbm4b:s3+s11], $0x80, s11, s11, $0xb8;
	[tilespmem:$0x16800] =	vst v63  }
0x1d: {  	s22 =	simm.s32 $0x100;
	p0 =	por $0x1, $0x1  }
0x1e: {  	[tilespmem:s15], [sflag:$0x3] =	stream.indirect.gather [hbm4b:s3+s11], $0x80, s22, s11, $0xb8;
	[tilespmem:$0x16800] =	vst v63  }
0x1f: {  	s23 =	simm.s32 $0x180;
	s1 =	simm.s32 $0xE800;
	s0 =	simm.s32 @!p0 $0xA  }
0x20: {  	[tilespmem:s1], [sflag:$0x4] =	stream.indirect.gather [hbm4b:s3+s11], $0x80, s23, s11, $0xb8;
	[tilespmem:$0x16800] =	vst v63  }
0x21: {  	_ =	swait.ge @!p0 [sflag:s0], $0x4000  }
0x22: {  	[sflag:s0] =	ssyncset.done @!p0 $0x0  }
0x23: {  	s24 =	simm.s32 $0x200;
	[sflag:s0] =	ssyncadd.s32 @!p0 $0xFFFFC000  }
0x24: {  	[tilespmem:s18], [sflag:$0x5] =	stream.indirect.gather [hbm4b:s3+s11], $0x80, s24, s11, $0xb8;
	[tilespmem:$0x16800] =	vst v63  }
0x25: {  	_ =	swait.ge [sflag:s19], $0x4000  }
0x26: {  	p0 =	por $0x0, $0x0;
	[sflag:s19] =	ssyncset.done $0x0  }
0x27: {  	s25 =	sadd.s32 $0xFFFFF800, s6;
	s1 =	simm.s32 @p0 $0x2;
	[sflag:s19] =	ssyncadd.s32 $0xFFFFC000  }
0x28: {  	[hbm4b:s25+s2] =	stream.linear.scatter [tilespmem:s12], [sflag:$0x6], $0x4000, $0x38;
	[tilespmem:$0x16800] =	vst v63  }
0x29: {  	_ =	swait.ge @p0 [sflag:s1], $0x4000  }
0x2a: {  	s4 =	simm.s32 @p0 $0x6800;
	s7 =	simm.s32 @!p0 $0x6;
	[sflag:s1] =	ssyncset.done @p0 $0x0  }
0x2b: {  	s0 =	rddreg [dreg:$0x3];
	[sflag:s1] =	ssyncadd.s32 @p0 $0xFFFFC000;
	s1 =	simm.s32 @p0 $0x0  }
0x2c: {  	[hbm4b:s0+s1] =	stream.linear.scatter @p0 [tilespmem:s4], [sflag:$0x7], $0x4000, $0x38;
	[tilespmem:$0x16800] =	vst v63  }
0x2d: {  	_ =	swait.ge @!p0 [sflag:s7], $0x4000  }
0x2e: {  	s13 =	simm.s32 @!p0 $0x2800;
	s0 =	simm.s32 @!p0 $0x280;
	[sflag:s7] =	ssyncset.done @!p0 $0x0  }
0x2f: {  	s4 =	simm.s32 @!p0 $0x80;
	[sflag:s7] =	ssyncadd.s32 @!p0 $0xFFFFC000;
	s7 =	simm.s32 @!p0 $0x2  }
0x30: {  	[tilespmem:s13], [sflag:$0x1] =	stream.indirect.gather @!p0 [hbm4b:s3+s4], $0x80, s0, s4, $0xb8;
	[tilespmem:$0x16800] =	vst v63  }
0x31: {  	_ =	swait.ge @!p0 [sflag:s7], $0x4000  }
0x32: {  	s0 =	simm.s32 @!p0 $0x0;
	[sflag:s7] =	ssyncset.done @!p0 $0x0  }
0x33: {  	s13 =	simm.s32 @!p0 $0x6800;
	[sflag:s7] =	ssyncadd.s32 @!p0 $0xFFFFC000;
	s7 =	simm.s32 @!p0 $0x7  }
0x34: {  	[hbm4b:s6+s0] =	stream.linear.scatter @!p0 [tilespmem:s13], [sflag:$0x7], $0x4000, $0x38;
	[tilespmem:$0x16800] =	vst v63  }
0x35: {  	_ =	swait.ge @!p0 [sflag:s7], $0x4000  }
0x36: {  	[sflag:s7] =	ssyncset.done @!p0 $0x0  }
0x37: {  	s16 =	simm.s32 @!p0 $0x300;
	[sflag:s7] =	ssyncadd.s32 @!p0 $0xFFFFC000  }
0x38: {  	[tilespmem:s13], [sflag:$0x2] =	stream.indirect.gather @!p0 [hbm4b:s3+s4], $0x80, s16, s4, $0xb8;
	[tilespmem:$0x16800] =	vst v63  }
0x39: {  	_ =	swait.ge [sflag:s20], $0x4000  }
0x3a: {  	[sflag:s20] =	ssyncset.done $0x0  }
0x3b: {  	s7 =	simm.s32 @p0 $0x4;
	[sflag:s20] =	ssyncadd.s32 $0xFFFFC000  }
0x3c: {  	[hbm4b:s9+s2] =	stream.linear.scatter [tilespmem:s15], [sflag:$0x8], $0x4000, $0x38;
	[tilespmem:$0x16800] =	vst v63  }
0x3d: {  	_ =	swait.ge @p0 [sflag:s7], $0x4000  }
0x3e: {  	s16 =	simm.s32 @!p0 $0x8;
	[sflag:s7] =	ssyncset.done @p0 $0x0  }
0x3f: {  	s13 =	rddreg [dreg:$0x4];
	[sflag:s7] =	ssyncadd.s32 @p0 $0xFFFFC000;
	s7 =	simm.s32 @p0 $0xE800  }
0x40: {  	[hbm4b:s13+s1] =	stream.linear.scatter @p0 [tilespmem:s7], [sflag:$0x9], $0x4000, $0x38;
	[tilespmem:$0x16800] =	vst v63  }
0x41: {  	_ =	swait.ge @!p0 [sflag:s16], $0x4000  }
0x42: {  	s1 =	simm.s32 @!p0 $0x380;
	[sflag:s16] =	ssyncset.done @!p0 $0x0  }
0x43: {  	s7 =	simm.s32 @!p0 $0xA800;
	s13 =	simm.s32 @!p0 $0x4;
	[sflag:s16] =	ssyncadd.s32 @!p0 $0xFFFFC000  }
0x44: {  	[tilespmem:s7], [sflag:$0x3] =	stream.indirect.gather @!p0 [hbm4b:s3+s4], $0x80, s1, s4, $0xb8;
	[tilespmem:$0x16800] =	vst v63  }
0x45: {  	_ =	swait.ge @!p0 [sflag:s13], $0x4000  }
0x46: {  	s31 =	sadd.s32 $0x2800, s9;
	[sflag:s13] =	ssyncset.done @!p0 $0x0  }
0x47: {  	s16 =	simm.s32 @!p0 $0x9;
	s7 =	simm.s32 @!p0 $0xE800;
	[sflag:s13] =	ssyncadd.s32 @!p0 $0xFFFFC000  }
0x48: {  	[hbm4b:s8+s0] =	stream.linear.scatter @!p0 [tilespmem:s7], [sflag:$0x9], $0x4000, $0x38;
	[tilespmem:$0x16800] =	vst v63  }
0x49: {  	s29 =	sadd.s32 $0x2800, s14;
	s30 =	sadd.s32 $0x2800, s8;
	_ =	swait.ge @!p0 [sflag:s16], $0x4000  }
0x4a: {  	p1 =	por $0x0, $0x0;
	s1 =	simm.s32 $0xA00;
	[sflag:s16] =	ssyncset.done @!p0 $0x0  }
0x4b: {  	s13 =	simm.s32 $0x1400;
	s0 =	simm.s32 @!p0 $0x400;
	[sflag:s16] =	ssyncadd.s32 @!p0 $0xFFFFC000  }
0x4c: {  	[tilespmem:s7], [sflag:$0x4] =	stream.indirect.gather @!p0 [hbm4b:s3+s4], $0x80, s0, s4, $0xb8;
	[tilespmem:$0x16800] =	vst v63  }
0x4d: {  	s0 =	sadd.s32 $0x2800, s6;
	s7 =	smov.u32 s14;
	_ =	swait.ge [sflag:s21], $0x4000  }
.LBB2_2:
0x4e: {  	[sflag:s21] =	ssyncset.done $0x0  }
0x4f: {  	s4 =	simm.s32 @!p1 $0xA;
	[sflag:s21] =	ssyncadd.s32 $0xFFFFC000  }
0x50: {  	[hbm4b:s7+s2] =	stream.linear.scatter [tilespmem:s18], [sflag:$0xA], $0x4000, $0x38;
	[tilespmem:$0x16800] =	vst v63  }
0x51: {  	_ =	swait.ge @!p1 [sflag:s4], $0x4000  }
0x52: {  	s16 =	sshra.s32 s1, $0x2;
	[sflag:s4] =	ssyncset.done @!p1 $0x0  }
0x53: {  	s16 =	sadd.s32 $0x200, s16;
	[sflag:s4] =	ssyncadd.s32 @!p1 $0xFFFFC000  }
0x54: {  	[tilespmem:s18], [sflag:$0x5] =	stream.indirect.gather [hbm4b:s3+s11], $0x80, s16, s11, $0xb8;
	[tilespmem:$0x16800] =	vst v63  }
0x55: {  	s17 =	smov.u32 s13;
	_ =	swait.ge [sflag:s19], $0x4000  }
0x56: {  	s25 =	sadd.s32 $0xFFFFF800, s0;
	p1 =	seq.s32 s1, $0x9600;
	[sflag:s19] =	ssyncset.done $0x0  }
0x57: {  	s16 =	simm.s32 @p1 $0x2;
	s1 =	sshra.s32 @!p1 s1, $0x2;
	[sflag:s19] =	ssyncadd.s32 $0xFFFFC000  }
0x58: {  	[hbm4b:s25+s2] =	stream.linear.scatter [tilespmem:s12], [sflag:$0x6], $0x4000, $0x38;
	[tilespmem:$0x16800] =	vst v63  }
0x59: {  	s23 =	simm.s32 @p1 $0x0;
	s24 =	simm.s32 @p1 $0x6800;
	_ =	swait.ge @p1 [sflag:s16], $0x4000  }
0x5a: {  	s5 =	sadd.s32 @!p1 $0x280, s1;
	s10 =	sadd.s32 @!p1 $0x300, s1;
	[sflag:s16] =	ssyncset.done @p1 $0x0  }
0x5b: {  	s25 =	simm.s32 @!p1 $0x6;
	s22 =	rddreg [dreg:$0x3];
	[sflag:s16] =	ssyncadd.s32 @p1 $0xFFFFC000  }
0x5c: {  	[hbm4b:s22+s23] =	stream.linear.scatter @p1 [tilespmem:s24], [sflag:$0x7], $0x4000, $0x38;
	[tilespmem:$0x16800] =	vst v63  }
0x5d: {  	s4 =	sadd.s32 @!p1 $0x380, s1;
	s16 =	sadd.s32 @!p1 $0x400, s1;
	_ =	swait.ge @!p1 [sflag:s25], $0x4000  }
0x5e: {  	s1 =	smov.u32 s17;
	s17 =	simm.s32 @!p1 $0x80;
	[sflag:s25] =	ssyncset.done @!p1 $0x0  }
0x5f: {  	s22 =	simm.s32 @!p1 $0x2800;
	s24 =	simm.s32 @!p1 $0x2;
	[sflag:s25] =	ssyncadd.s32 @!p1 $0xFFFFC000  }
0x60: {  	[tilespmem:s22], [sflag:$0x1] =	stream.indirect.gather @!p1 [hbm4b:s3+s17], $0x80, s5, s17, $0xb8;
	[tilespmem:$0x16800] =	vst v63  }
0x61: {  	_ =	swait.ge @!p1 [sflag:s24], $0x4000  }
0x62: {  	s5 =	simm.s32 @!p1 $0x0;
	[sflag:s24] =	ssyncset.done @!p1 $0x0  }
0x63: {  	s22 =	simm.s32 @!p1 $0x6800;
	[sflag:s24] =	ssyncadd.s32 @!p1 $0xFFFFC000;
	s24 =	simm.s32 @!p1 $0x7  }
0x64: {  	[hbm4b:s0+s5] =	stream.linear.scatter @!p1 [tilespmem:s22], [sflag:$0x7], $0x4000, $0x38;
	[tilespmem:$0x16800] =	vst v63  }
0x65: {  	_ =	swait.ge @!p1 [sflag:s24], $0x4000  }
0x66: {  	[sflag:s24] =	ssyncset.done @!p1 $0x0  }
0x67: {  	[sflag:s24] =	ssyncadd.s32 @!p1 $0xFFFFC000  }
0x68: {  	[tilespmem:s22], [sflag:$0x2] =	stream.indirect.gather @!p1 [hbm4b:s3+s17], $0x80, s10, s17, $0xb8;
	[tilespmem:$0x16800] =	vst v63  }
0x69: {  	_ =	swait.ge [sflag:s20], $0x4000  }
0x6a: {  	[sflag:s20] =	ssyncset.done $0x0  }
0x6b: {  	s10 =	simm.s32 @p1 $0x4;
	[sflag:s20] =	ssyncadd.s32 $0xFFFFC000  }
0x6c: {  	[hbm4b:s31+s2] =	stream.linear.scatter [tilespmem:s15], [sflag:$0x8], $0x4000, $0x38;
	[tilespmem:$0x16800] =	vst v63  }
0x6d: {  	_ =	swait.ge @p1 [sflag:s10], $0x4000  }
0x6e: {  	s24 =	simm.s32 @!p1 $0x8;
	[sflag:s10] =	ssyncset.done @p1 $0x0  }
0x6f: {  	s22 =	rddreg [dreg:$0x4];
	[sflag:s10] =	ssyncadd.s32 @p1 $0xFFFFC000;
	s10 =	simm.s32 @p1 $0xE800  }
0x70: {  	[hbm4b:s22+s23] =	stream.linear.scatter @p1 [tilespmem:s10], [sflag:$0x9], $0x4000, $0x38;
	[tilespmem:$0x16800] =	vst v63  }
0x71: {  	_ =	swait.ge @!p1 [sflag:s24], $0x4000  }
0x72: {  	[sflag:s24] =	ssyncset.done @!p1 $0x0  }
0x73: {  	s10 =	simm.s32 @!p1 $0xA800;
	s22 =	simm.s32 @!p1 $0x4;
	[sflag:s24] =	ssyncadd.s32 @!p1 $0xFFFFC000  }
0x74: {  	[tilespmem:s10], [sflag:$0x3] =	stream.indirect.gather @!p1 [hbm4b:s3+s17], $0x80, s4, s17, $0xb8;
	[tilespmem:$0x16800] =	vst v63  }
0x75: {  	s13 =	sadd.s32 $0xA00, s13;
	_ =	swait.ge @!p1 [sflag:s22], $0x4000  }
0x76: {  	p0 =	sne.s32 s13, $0xA000;
	[sflag:s22] =	ssyncset.done @!p1 $0x0  }
0x77: {  	s4 =	simm.s32 @!p1 $0xE800;
	s10 =	simm.s32 @!p1 $0x9;
	[sflag:s22] =	ssyncadd.s32 @!p1 $0xFFFFC000  }
0x78: {  	[hbm4b:s30+s5] =	stream.linear.scatter @!p1 [tilespmem:s4], [sflag:$0x9], $0x4000, $0x38;
	[tilespmem:$0x16800] =	vst v63  }
.Ltmp0:
0x79: {  	_ =	swait.ge @!p1 [sflag:s10], $0x4000;
	(pc) =	sbr.rel @p0 .LBB2_2-.Ltmp0, $4  }
0x7a: {  	s7 =	smov.u32 s29;
	s29 =	sadd.s32 $0x2800, s29;
	[sflag:s10] =	ssyncset.done @!p1 $0x0  }
0x7b: {  	s0 =	sadd.s32 $0x2800, s0;
	s31 =	sadd.s32 $0x2800, s31;
	[sflag:s10] =	ssyncadd.s32 @!p1 $0xFFFFC000  }
0x7c: {  	[tilespmem:s4], [sflag:$0x4] =	stream.indirect.gather @!p1 [hbm4b:s3+s17], $0x80, s16, s17, $0xb8;
	[tilespmem:$0x16800] =	vst v63  }
0x7d: {  	s30 =	sadd.s32 $0x2800, s30;
	p1 =	seq.s32 s1, $0x0;
	_ =	swait.ge [sflag:s21], $0x4000  }
0x7e: {  	[sflag:s21] =	ssyncset.done $0x0  }
0x7f: {  	s4 =	simm.s32 @!p1 $0xA;
	[sflag:s21] =	ssyncadd.s32 $0xFFFFC000  }
0x80: {  	[hbm4b:s7+s2] =	stream.linear.scatter [tilespmem:s18], [sflag:$0xA], $0x4000, $0x38;
	[tilespmem:$0x16800] =	vst v63  }
0x81: {  	_ =	swait.ge @!p1 [sflag:s4], $0x4000  }
0x82: {  	s5 =	sshra.s32 s1, $0x2;
	[sflag:s4] =	ssyncset.done @!p1 $0x0  }
0x83: {  	s5 =	sadd.s32 $0x200, s5;
	[sflag:s4] =	ssyncadd.s32 @!p1 $0xFFFFC000  }
0x84: {  	[tilespmem:s18], [sflag:$0x5] =	stream.indirect.gather [hbm4b:s3+s11], $0x80, s5, s11, $0xb8;
	[tilespmem:$0x16800] =	vst v63  }
0x85: {  	_ =	swait.ge [sflag:s19], $0x4000  }
0x86: {  	p0 =	seq.s32 s1, $0x9600;
	[sflag:s19] =	ssyncset.done $0x0  }
0x87: {  	s23 =	sadd.s32 $0xFFFFF800, s0;
	s5 =	simm.s32 @p0 $0x2;
	[sflag:s19] =	ssyncadd.s32 $0xFFFFC000  }
0x88: {  	[hbm4b:s23+s2] =	stream.linear.scatter [tilespmem:s12], [sflag:$0x6], $0x4000, $0x38;
	[tilespmem:$0x16800] =	vst v63  }
0x89: {  	_ =	swait.ge @p0 [sflag:s5], $0x4000  }
0x8a: {  	s10 =	simm.s32 @!p0 $0x6;
	s7 =	simm.s32 @p0 $0x6800;
	[sflag:s5] =	ssyncset.done @p0 $0x0  }
0x8b: {  	s4 =	rddreg [dreg:$0x3];
	[sflag:s5] =	ssyncadd.s32 @p0 $0xFFFFC000;
	s5 =	simm.s32 @p0 $0x0  }
0x8c: {  	[hbm4b:s4+s5] =	stream.linear.scatter @p0 [tilespmem:s7], [sflag:$0x7], $0x4000, $0x38;
	[tilespmem:$0x16800] =	vst v63  }
0x8d: {  	s1 =	sshra.s32 @!p0 s1, $0x2;
	_ =	swait.ge @!p0 [sflag:s10], $0x4000  }
0x8e: {  	s4 =	sadd.s32 @!p0 $0x280, s1;
	[sflag:s10] =	ssyncset.done @!p0 $0x0  }
0x8f: {  	s7 =	simm.s32 @!p0 $0x80;
	[sflag:s10] =	ssyncadd.s32 @!p0 $0xFFFFC000;
	s10 =	simm.s32 @!p0 $0x2800  }
0x90: {  	[tilespmem:s10], [sflag:$0x1] =	stream.indirect.gather @!p0 [hbm4b:s3+s7], $0x80, s4, s7, $0xb8;
	[tilespmem:$0x16800] =	vst v63  }
0x91: {  	s4 =	simm.s32 @!p0 $0x2  }
0x92: {  	_ =	swait.ge @!p0 [sflag:s4], $0x4000  }
0x93: {  	[sflag:s4] =	ssyncset.done @!p0 $0x0  }
0x94: {  	s10 =	simm.s32 @!p0 $0x0;
	[sflag:s4] =	ssyncadd.s32 @!p0 $0xFFFFC000;
	s4 =	simm.s32 @!p0 $0x6800  }
0x95: {  	[hbm4b:s0+s10] =	stream.linear.scatter @!p0 [tilespmem:s4], [sflag:$0x7], $0x4000, $0x38;
	[tilespmem:$0x16800] =	vst v63  }
0x96: {  	s0 =	simm.s32 @!p0 $0x7  }
0x97: {  	_ =	swait.ge @!p0 [sflag:s0], $0x4000  }
0x98: {  	[sflag:s0] =	ssyncset.done @!p0 $0x0  }
0x99: {  	[sflag:s0] =	ssyncadd.s32 @!p0 $0xFFFFC000;
	s0 =	sadd.s32 @!p0 $0x300, s1  }
0x9a: {  	[tilespmem:s4], [sflag:$0x2] =	stream.indirect.gather @!p0 [hbm4b:s3+s7], $0x80, s0, s7, $0xb8;
	[tilespmem:$0x16800] =	vst v63  }
0x9b: {  	_ =	swait.ge [sflag:s20], $0x4000  }
0x9c: {  	[sflag:s20] =	ssyncset.done $0x0  }
0x9d: {  	s0 =	simm.s32 @p0 $0x4;
	[sflag:s20] =	ssyncadd.s32 $0xFFFFC000  }
0x9e: {  	[hbm4b:s31+s2] =	stream.linear.scatter [tilespmem:s15], [sflag:$0x8], $0x4000, $0x38;
	[tilespmem:$0x16800] =	vst v63  }
0x9f: {  	_ =	swait.ge @p0 [sflag:s0], $0x4000  }
0xa0: {  	[sflag:s0] =	ssyncset.done @p0 $0x0  }
0xa1: {  	s4 =	rddreg [dreg:$0x4];
	[sflag:s0] =	ssyncadd.s32 @p0 $0xFFFFC000;
	s0 =	simm.s32 @p0 $0xE800  }
0xa2: {  	[hbm4b:s4+s5] =	stream.linear.scatter @p0 [tilespmem:s0], [sflag:$0x9], $0x4000, $0x38;
	[tilespmem:$0x16800] =	vst v63  }
0xa3: {  	s0 =	simm.s32 @!p0 $0x8  }
0xa4: {  	_ =	swait.ge @!p0 [sflag:s0], $0x4000  }
0xa5: {  	[sflag:s0] =	ssyncset.done @!p0 $0x0  }
0xa6: {  	s4 =	sadd.s32 @!p0 $0x380, s1;
	[sflag:s0] =	ssyncadd.s32 @!p0 $0xFFFFC000;
	s0 =	simm.s32 @!p0 $0xA800  }
0xa7: {  	[tilespmem:s0], [sflag:$0x3] =	stream.indirect.gather @!p0 [hbm4b:s3+s7], $0x80, s4, s7, $0xb8;
	[tilespmem:$0x16800] =	vst v63  }
0xa8: {  	s0 =	simm.s32 @!p0 $0x4  }
0xa9: {  	_ =	swait.ge @!p0 [sflag:s0], $0x4000  }
0xaa: {  	[sflag:s0] =	ssyncset.done @!p0 $0x0  }
0xab: {  	s4 =	simm.s32 @!p0 $0x9;
	[sflag:s0] =	ssyncadd.s32 @!p0 $0xFFFFC000;
	s0 =	simm.s32 @!p0 $0xE800  }
0xac: {  	[hbm4b:s30+s10] =	stream.linear.scatter @!p0 [tilespmem:s0], [sflag:$0x9], $0x4000, $0x38;
	[tilespmem:$0x16800] =	vst v63  }
0xad: {  	_ =	swait.ge @!p0 [sflag:s4], $0x4000  }
0xae: {  	[sflag:s4] =	ssyncset.done @!p0 $0x0  }
0xaf: {  	s1 =	sadd.s32 @!p0 $0x400, s1;
	[sflag:s4] =	ssyncadd.s32 @!p0 $0xFFFFC000  }
0xb0: {  	[tilespmem:s0], [sflag:$0x4] =	stream.indirect.gather @!p0 [hbm4b:s3+s7], $0x80, s1, s7, $0xb8;
	[tilespmem:$0x16800] =	vst v63  }
0xb1: {  	_ =	swait.ge [sflag:s21], $0x4000  }
0xb2: {  	[sflag:s21] =	ssyncset.done $0x0  }
0xb3: {  	s24 =	simm.s32 $0x6;
	[sflag:s21] =	ssyncadd.s32 $0xFFFFC000  }
0xb4: {  	[hbm4b:s29+s2] =	stream.linear.scatter [tilespmem:s18], [sflag:$0xA], $0x4000, $0x38;
	[tilespmem:$0x16800] =	vst v63  }
0xb5: {  	_ =	swait.ge [sflag:s24], $0x4000  }
0xb6: {  	[sflag:s24] =	ssyncset.done $0x0  }
0xb7: {  	s25 =	simm.s32 $0x7;
	[sflag:s24] =	ssyncadd.s32 $0xFFFFC000  }
0xb8: {  	_ =	swait.ge [sflag:s25], $0x4000  }
0xb9: {  	[sflag:s25] =	ssyncset.done $0x0  }
0xba: {  	s29 =	simm.s32 $0x8;
	[sflag:s25] =	ssyncadd.s32 $0xFFFFC000  }
0xbb: {  	_ =	swait.ge [sflag:s29], $0x4000  }
0xbc: {  	[sflag:s29] =	ssyncset.done $0x0  }
0xbd: {  	s30 =	simm.s32 $0x9;
	[sflag:s29] =	ssyncadd.s32 $0xFFFFC000  }
0xbe: {  	_ =	swait.ge [sflag:s30], $0x4000  }
0xbf: {  	[sflag:s30] =	ssyncset.done $0x0  }
0xc0: {  	[sflag:s30] =	ssyncadd.s32 $0xFFFFC000  }
0xc1: {  	_ =	swait.ge [sflag:s26], $0x4000  }
0xc2: {  	s28 =	sadd.s32 $0x1, s28;
	s31 =	rddreg [dreg:$0x6]  }
0xc3: {  	p0 =	sne.s32 s28, s31  }
.Ltmp1:
0xc4: {  	_ = 	snop;
	(pc) =	sbr.rel @p0 .LBB2_1-.Ltmp1, $3  }
0xc5: {  	_ =	sdelay $0x1  }
0xc6: {  	[sflag:s26] =	ssyncset.done $0x0  }
0xc7: {  	[sflag:s26] =	ssyncadd.s32 $0xFFFFC000  }
0xc8: {  	_ =	sfence.sel $0x180000  }
0xc9: {  	[bflag:$0x0] =	sbarrier.arrive $0xFFFF  }
0xca: {  	_ =	strace $0x90000047  }
0xcb: {  	s0 =	stileid.u32;
	[bflag:$0x2] =	sbarrier.arrive $0xFFFF  }
0xcc: {  	p0 =	sne.s32 s0, $0x0;
	s0 =	rddreg [dreg:$0x2]  }
0xcd: {  	s0 =	sadd.s32 @!p0 $0x100000, s0  }
0xce: {  	[sflag:s0] =	ssyncadd.tile.s32 @!p0 $0x1;
	_ =	shalt  }
.Lfunc_end2:
_tile_overlayer_lowered:
.L_overlay_start_2:
0xcf: {  	(tag) =	ssettag $0x2  }
0xd0: {  	s0 =	rddreg [dreg:$0x0];
	s2 =	stileid.u32  }
0xd1: {  	s1 =	rddreg [dreg:$0x1];
	p0 =	sne.s32 s2, $0x0  }
0xd2: {  	s3 =	rddreg [dreg:$0x2];
	[bflag:$0x3] =	sbarrier.arrive $0xFFFF;
	s2 =	simm.s32 @!p0 $0x1C0B  }
0xd3: {  	[timem:s3], [sflag:s2] =	dma.local @!p0 [hbm:s0], s1  }
0xd4: {  	s0 =	simm.s32 @!p0 $0xB  }
0xd5: {  	_ =	swait.ge @!p0 [sflag:s0], s1  }
0xd6: {  	s1 =	ssub.s32 @!p0 $0x0, s1;
	[sflag:s0] =	ssyncset.done @!p0 $0x0  }
0xd7: {  	[sflag:s0] =	ssyncadd.s32 @!p0 s1  }
0xd8: {  	[bflag:$0x3] =	sbarrier.arrive $0xFFFF  }
0xd9: {  	_ =	shalt  }

</sc_bundles>
